<compile_context>
chip_gen: v7x
topology: tpu7x:2x2x1
jax: 0.10.2.dev20260603
libtpu: 0.0.44.dev20260713+nightly
codegen_flags: <defaults>
</compile_context>

<pallas_src>
import functools

import jax
import jax.numpy as jnp
from jax import lax
from jax.experimental import pallas as pl
from jax.experimental.pallas import tpu as pltpu
from jax.experimental.pallas import tpu_sc as plsc

_RANK = 128
_LAMBDA = 1e-4
_BATCH = 16384

_NC = 2
_NS = 16
_NW = _NC * _NS
_ROWS_PER_W = _BATCH // _NW
_CHUNK = 128
_N_CHUNKS = _ROWS_PER_W // _CHUNK


def _sc_mse_partials(u, i, r, u_feat, i_feat):
    mesh = plsc.VectorSubcoreMesh(core_axis_name="c", subcore_axis_name="s")

    @functools.partial(
        pl.kernel,
        mesh=mesh,
        compiler_params=pltpu.CompilerParams(
            needs_layout_passes=False, disable_bounds_checks=True),
        out_type=jax.ShapeDtypeStruct((_NW * 16,), jnp.float32),
        scratch_types=[
            pltpu.VMEM((_ROWS_PER_W,), jnp.int32),
            pltpu.VMEM((_ROWS_PER_W,), jnp.int32),
            pltpu.VMEM((_ROWS_PER_W + 16,), jnp.float32),
            pltpu.VMEM((2, _CHUNK, _RANK), jnp.float32),
            pltpu.VMEM((2, _CHUNK, _RANK), jnp.float32),
            pltpu.VMEM((16,), jnp.float32),
            pltpu.SemaphoreType.DMA,
            pltpu.SemaphoreType.DMA,
        ],
    )
    def sc_kernel(u_hbm, i_hbm, r_hbm, uf_hbm, if_hbm, out_hbm,
                  uidx_v, iidx_v, r_v, ubuf, ibuf, acc_v, sem0, sem1):
        wid = lax.axis_index("s") * _NC + lax.axis_index("c")
        base = wid * _ROWS_PER_W
        lane = lax.iota(jnp.int32, 16)
        sems = (sem0, sem1)

        pltpu.sync_copy(u_hbm.at[pl.ds(base, _ROWS_PER_W)], uidx_v)
        pltpu.sync_copy(i_hbm.at[pl.ds(base, _ROWS_PER_W)], iidx_v)
        pltpu.sync_copy(r_hbm.at[pl.ds(base, _ROWS_PER_W)],
                        r_v.at[pl.ds(0, _ROWS_PER_W)])

        def fire(c):
            slot = c % 2
            cu = pltpu.async_copy(
                uf_hbm.at[uidx_v.at[pl.ds(c * _CHUNK, _CHUNK)]],
                ubuf.at[slot], sems[slot])
            ci = pltpu.async_copy(
                if_hbm.at[iidx_v.at[pl.ds(c * _CHUNK, _CHUNK)]],
                ibuf.at[slot], sems[slot])
            return (cu, ci)

        pending = {0: fire(0)}
        acc = jnp.zeros((16,), jnp.float32)
        for c in range(_N_CHUNKS):
            if c + 1 < _N_CHUNKS:
                pending[c + 1] = fire(c + 1)
            cu, ci = pending.pop(c)
            cu.wait()
            ci.wait()
            slot = c % 2
            ub = ubuf.at[slot]
            ib = ibuf.at[slot]

            @plsc.parallel_loop(0, _CHUNK, step=1, unroll=4,
                                carry=jnp.float32(0.0))
            def row_body(rr, carry, ub=ub, ib=ib, c=c):
                a0 = jnp.zeros((16,), jnp.float32)
                a1 = jnp.zeros((16,), jnp.float32)
                for k in range(0, 8, 2):
                    a0 = a0 + (ub[rr, pl.ds(k * 16, 16)]
                               * ib[rr, pl.ds(k * 16, 16)])
                    a1 = a1 + (ub[rr, pl.ds((k + 1) * 16, 16)]
                               * ib[rr, pl.ds((k + 1) * 16, 16)])
                s = jnp.sum(a0 + a1)
                d = s - r_v[pl.ds(c * _CHUNK + rr, 16)][0]
                return carry + d * d

            acc = acc + jnp.where(lane == 0, row_body, 0.0)
        acc_v[...] = acc
        pltpu.sync_copy(acc_v, out_hbm.at[pl.ds(wid * 16, 16)])

    return sc_kernel(u, i, r, u_feat, i_feat)


_REG_BLK = 10000


def _tc_reg_kernel(u_ref, i_ref, out_ref):
    j = pl.program_id(0)

    @pl.when(j == 0)
    def _():
        out_ref[0, 0] = 0.0

    x = u_ref[...]
    y = i_ref[...]
    out_ref[0, 0] += jnp.sum(x * x) + jnp.sum(y * y)


def _tc_reg_loss(u_feat, i_feat):
    grid = u_feat.shape[0] // _REG_BLK
    return pl.pallas_call(
        _tc_reg_kernel,
        grid=(grid,),
        in_specs=[
            pl.BlockSpec((_REG_BLK, _RANK), lambda j: (j, 0)),
            pl.BlockSpec((_REG_BLK, _RANK), lambda j: (j, 0)),
        ],
        out_specs=pl.BlockSpec((1, 1), lambda j: (0, 0),
                               memory_space=pltpu.SMEM),
        out_shape=jax.ShapeDtypeStruct((1, 1), jnp.float32),
    )(u_feat, i_feat)


def _combine_kernel(parts_ref, reg_ref, loss_ref, rmse_ref):
    mse = jnp.sum(parts_ref[...]) * jnp.float32(1.0 / _BATCH)
    loss_ref[0, 0] = mse + jnp.float32(_LAMBDA) * reg_ref[0, 0]
    rmse_ref[0, 0] = jnp.sqrt(mse)


def _combine(mse_parts, reg):
    return pl.pallas_call(
        _combine_kernel,
        in_specs=[
            pl.BlockSpec((4, 128), lambda: (0, 0)),
            pl.BlockSpec(memory_space=pltpu.SMEM),
        ],
        out_specs=[
            pl.BlockSpec(memory_space=pltpu.SMEM),
            pl.BlockSpec(memory_space=pltpu.SMEM),
        ],
        out_shape=[
            jax.ShapeDtypeStruct((1, 1), jnp.float32),
            jax.ShapeDtypeStruct((1, 1), jnp.float32),
        ],
    )(mse_parts.reshape(4, 128), reg)


def kernel(u, i, r, u_feat, i_feat):
    mse_parts = _sc_mse_partials(u, i, r, u_feat, i_feat)
    reg = _tc_reg_loss(u_feat, i_feat)
    loss, rmse = _combine(mse_parts, reg)
    return (loss[0, 0], rmse[0, 0])

# --- scband reference (transcript-rebuilt; emitter-appended) ---
"""Pipeline reference for scband-pretrian-model-32117765439822 (READ-ONLY COPY).

The authoritative reference and input builder live on the scoring server;
editing this copy changes nothing except your own understanding.
"""

import jax, jax.numpy as jnp
import numpy as np

PRE_RANK = 128
PRE_LAMBDA = 1e-4
N_USER = 100000
N_ITEM = 100000
MU = 3.5
STD = 1.1
BATCH = 16384


def _init_feat(key, n, rank, mu, std):
    _mu = float(np.sqrt(mu / rank))
    _std = float(np.sqrt((np.sqrt(mu * mu + std * std) - mu) / rank))
    x = _mu + _std * jax.random.normal(key, (n, rank), dtype=jnp.float32)
    # truncated normal to [mu-2std, mu+2std], matching trunc_normal_ support
    return jnp.clip(x, _mu - 2.0 * _std, _mu + 2.0 * _std)


def setup_inputs(seed: int = 0) -> dict:
    key = jax.random.key(seed)
    k1, k2, k3, k4, k5 = jax.random.split(key, 5)
    u = jax.random.randint(k1, (BATCH,), 0, N_USER, dtype=jnp.int32)
    i = jax.random.randint(k2, (BATCH,), 0, N_ITEM, dtype=jnp.int32)
    r = MU + STD * jax.random.normal(k3, (BATCH,), dtype=jnp.float32)
    u_feat = _init_feat(k4, N_USER, PRE_RANK, MU, STD)
    i_feat = _init_feat(k5, N_ITEM, PRE_RANK, MU, STD)
    return {"u": u, "i": i, "r": r, "u_feat": u_feat, "i_feat": i_feat}


def reference(u, i, r, u_feat, i_feat):
    u_lookup = jnp.take(u_feat, u, axis=0)
    i_lookup = jnp.take(i_feat, i, axis=0)
    r_hat = jnp.sum(u_lookup * i_lookup, axis=1)
    mse = jnp.mean(jnp.square(r_hat - r))
    rmse = jnp.sqrt(mse)
    reg_loss = jnp.sum(jnp.square(u_feat)) + jnp.sum(jnp.square(i_feat))
    loss = mse + PRE_LAMBDA * reg_loss
    return (loss, rmse)

if __name__ == "__main__":
    import jax
    _d = setup_inputs()
    print(jax.jit(kernel)(*tuple(_d.values())))

</pallas_src>

<mosaic_0001>
#map = affine_map<(d0, d1) -> (0)>
#map1 = affine_map<(d0, d1) -> (0, 0)>
module attributes {stable_mosaic.version = 14 : i64} {
  func.func @sc_kernel(%arg0: i32, %arg1: i32, %arg2: memref<16384xi32, #tpu.memory_space<hbm>>, %arg3: memref<16384xi32, #tpu.memory_space<hbm>>, %arg4: memref<16384xf32, #tpu.memory_space<hbm>>, %arg5: memref<100000x128xf32, #tpu.memory_space<hbm>>, %arg6: memref<100000x128xf32, #tpu.memory_space<hbm>>, %arg7: memref<512xf32, #tpu.memory_space<hbm>>, %arg8: memref<512xi32, #tpu.memory_space<vmem>>, %arg9: memref<512xi32, #tpu.memory_space<vmem>>, %arg10: memref<528xf32, #tpu.memory_space<vmem>>, %arg11: memref<2x128x128xf32, #tpu.memory_space<vmem>>, %arg12: memref<2x128x128xf32, #tpu.memory_space<vmem>>, %arg13: memref<16xf32, #tpu.memory_space<vmem>>, %arg14: memref<!tpu.dma_semaphore, #tpu.memory_space<semaphore_mem>>, %arg15: memref<!tpu.dma_semaphore, #tpu.memory_space<semaphore_mem>>) attributes {dimension_semantics = [#tpu.dimension_semantics<core_parallel>, #tpu.dimension_semantics<subcore_parallel>], iteration_bounds = array<i64: 2, 16>, scalar_prefetch = 0 : i64, scratch_operands = 8 : i64, tpu.core_type = #tpu.core_type<sc_vector_subcore>, window_params = [{transform_indices = #map}, {transform_indices = #map}, {transform_indices = #map}, {transform_indices = #map1}, {transform_indices = #map1}, {transform_indices = #map}]} {
    %mul3A = arith.constant 2 : i32
    %mul3A_0 = arith.muli %arg1, %mul3A : i32
    %add3A = arith.addi %mul3A_0, %arg0 : i32
    %mul3A_1 = arith.constant 512 : i32
    %mul3A_2 = arith.muli %add3A, %mul3A_1 : i32
    %iota3A = tpu.iota {dimensions = array<i32: 0>} : vector<16xi32>
    "tpu.region"() ({
      %run_scoped3A = tpu.sem_alloc : memref<!tpu.dma_semaphore, #tpu.memory_space<semaphore_mem>>
      %dma_start3A_221 = tpu.memref_slice %arg2[%mul3A_2] : memref<16384xi32, #tpu.memory_space<hbm>> -> memref<512xi32, #tpu.memory_space<hbm>>
      %dma_start3A_222 = tpu.memref_slice %arg2[%mul3A_2] : memref<16384xi32, #tpu.memory_space<hbm>> -> memref<512xi32, #tpu.memory_space<hbm>>
      tpu.enqueue_dma source(%dma_start3A_222 : memref<512xi32, #tpu.memory_space<hbm>>) target(%arg8 : memref<512xi32, #tpu.memory_space<vmem>>) target_semaphore(%run_scoped3A : memref<!tpu.dma_semaphore, #tpu.memory_space<semaphore_mem>>)
      %dma_wait3A_223 = tpu.memref_slice %arg2[%mul3A_2] : memref<16384xi32, #tpu.memory_space<hbm>> -> memref<512xi32, #tpu.memory_space<hbm>>
      %dma_wait3A_224 = tpu.memref_slice %arg2[%mul3A_2] : memref<16384xi32, #tpu.memory_space<hbm>> -> memref<512xi32, #tpu.memory_space<hbm>>
      tpu.wait_dma2 semaphore(%run_scoped3A : memref<!tpu.dma_semaphore, #tpu.memory_space<semaphore_mem>>) src(%dma_wait3A_224 : memref<512xi32, #tpu.memory_space<hbm>>) dst(%arg8 : memref<512xi32, #tpu.memory_space<vmem>>)
      tpu.yield
    }) : () -> ()
    "tpu.region"() ({
      %run_scoped3A = tpu.sem_alloc : memref<!tpu.dma_semaphore, #tpu.memory_space<semaphore_mem>>
      %dma_start3A_221 = tpu.memref_slice %arg3[%mul3A_2] : memref<16384xi32, #tpu.memory_space<hbm>> -> memref<512xi32, #tpu.memory_space<hbm>>
      %dma_start3A_222 = tpu.memref_slice %arg3[%mul3A_2] : memref<16384xi32, #tpu.memory_space<hbm>> -> memref<512xi32, #tpu.memory_space<hbm>>
      tpu.enqueue_dma source(%dma_start3A_222 : memref<512xi32, #tpu.memory_space<hbm>>) target(%arg9 : memref<512xi32, #tpu.memory_space<vmem>>) target_semaphore(%run_scoped3A : memref<!tpu.dma_semaphore, #tpu.memory_space<semaphore_mem>>)
      %dma_wait3A_223 = tpu.memref_slice %arg3[%mul3A_2] : memref<16384xi32, #tpu.memory_space<hbm>> -> memref<512xi32, #tpu.memory_space<hbm>>
      %dma_wait3A_224 = tpu.memref_slice %arg3[%mul3A_2] : memref<16384xi32, #tpu.memory_space<hbm>> -> memref<512xi32, #tpu.memory_space<hbm>>
      tpu.wait_dma2 semaphore(%run_scoped3A : memref<!tpu.dma_semaphore, #tpu.memory_space<semaphore_mem>>) src(%dma_wait3A_224 : memref<512xi32, #tpu.memory_space<hbm>>) dst(%arg9 : memref<512xi32, #tpu.memory_space<vmem>>)
      tpu.yield
    }) : () -> ()
    "tpu.region"() ({
      %run_scoped3A = tpu.sem_alloc : memref<!tpu.dma_semaphore, #tpu.memory_space<semaphore_mem>>
      %dma_start3A_221 = arith.constant 0 : i32
      %dma_start3A_222 = tpu.memref_slice %arg10[%dma_start3A_221] : memref<528xf32, #tpu.memory_space<vmem>> -> memref<512xf32, #tpu.memory_space<vmem>>
      %dma_start3A_223 = tpu.memref_slice %arg4[%mul3A_2] : memref<16384xf32, #tpu.memory_space<hbm>> -> memref<512xf32, #tpu.memory_space<hbm>>
      %dma_start3A_224 = arith.constant 0 : i32
      %dma_start3A_225 = tpu.memref_slice %arg10[%dma_start3A_224] : memref<528xf32, #tpu.memory_space<vmem>> -> memref<512xf32, #tpu.memory_space<vmem>>
      %dma_start3A_226 = tpu.memref_slice %arg4[%mul3A_2] : memref<16384xf32, #tpu.memory_space<hbm>> -> memref<512xf32, #tpu.memory_space<hbm>>
      tpu.enqueue_dma source(%dma_start3A_226 : memref<512xf32, #tpu.memory_space<hbm>>) target(%dma_start3A_225 : memref<512xf32, #tpu.memory_space<vmem>>) target_semaphore(%run_scoped3A : memref<!tpu.dma_semaphore, #tpu.memory_space<semaphore_mem>>)
      %dma_wait3A_227 = arith.constant 0 : i32
      %dma_wait3A_228 = tpu.memref_slice %arg10[%dma_wait3A_227] : memref<528xf32, #tpu.memory_space<vmem>> -> memref<512xf32, #tpu.memory_space<vmem>>
      %dma_wait3A_229 = tpu.memref_slice %arg4[%mul3A_2] : memref<16384xf32, #tpu.memory_space<hbm>> -> memref<512xf32, #tpu.memory_space<hbm>>
      %dma_wait3A_230 = arith.constant 0 : i32
      %dma_wait3A_231 = tpu.memref_slice %arg10[%dma_wait3A_230] : memref<528xf32, #tpu.memory_space<vmem>> -> memref<512xf32, #tpu.memory_space<vmem>>
      %dma_wait3A_232 = tpu.memref_slice %arg4[%mul3A_2] : memref<16384xf32, #tpu.memory_space<hbm>> -> memref<512xf32, #tpu.memory_space<hbm>>
      tpu.wait_dma2 semaphore(%run_scoped3A : memref<!tpu.dma_semaphore, #tpu.memory_space<semaphore_mem>>) src(%dma_wait3A_232 : memref<512xf32, #tpu.memory_space<hbm>>) dst(%dma_wait3A_231 : memref<512xf32, #tpu.memory_space<vmem>>)
      tpu.yield
    }) : () -> ()
    %dma_start3A = arith.constant 0 : i32
    %dma_start3A_3 = arith.constant 0 : i32
    %dma_start3A_4 = arith.constant 0 : i32
    %dma_start3A_5 = tpu.memref_slice %arg11[%dma_start3A, %dma_start3A_3, %dma_start3A_4] : memref<2x128x128xf32, #tpu.memory_space<vmem>> -> memref<1x128x128xf32, #tpu.memory_space<vmem>>
    %dma_start3A_6 = tpu.memref_squeeze %dma_start3A_5 : memref<1x128x128xf32, #tpu.memory_space<vmem>> -> memref<128x128xf32, #tpu.memory_space<vmem>>
    %dma_start3A_7 = arith.constant 0 : i32
    %dma_start3A_8 = tpu.memref_slice %arg8[%dma_start3A_7] : memref<512xi32, #tpu.memory_space<vmem>> -> memref<128xi32, #tpu.memory_space<vmem>>
    %dma_start3A_9 = arith.constant 0 : i32
    %dma_start3A_10 = arith.constant 0 : i32
    %dma_start3A_11 = tpu.memref_slice %arg5[%dma_start3A_9, %dma_start3A_10] : memref<100000x128xf32, #tpu.memory_space<hbm>> -> memref<100000x128xf32, #tpu.memory_space<hbm>>
    tpu.enqueue_indirect_dma source(%dma_start3A_11 : memref<100000x128xf32, #tpu.memory_space<hbm>>) target(%dma_start3A_6 : memref<128x128xf32, #tpu.memory_space<vmem>>) offsets(%dma_start3A_8 : memref<128xi32, #tpu.memory_space<vmem>>) semaphore(%arg14 : memref<!tpu.dma_semaphore, #tpu.memory_space<semaphore_mem>>)
    %dma_start3A_12 = arith.constant 0 : i32
    %dma_start3A_13 = arith.constant 0 : i32
    %dma_start3A_14 = arith.constant 0 : i32
    %dma_start3A_15 = tpu.memref_slice %arg12[%dma_start3A_12, %dma_start3A_13, %dma_start3A_14] : memref<2x128x128xf32, #tpu.memory_space<vmem>> -> memref<1x128x128xf32, #tpu.memory_space<vmem>>
    %dma_start3A_16 = tpu.memref_squeeze %dma_start3A_15 : memref<1x128x128xf32, #tpu.memory_space<vmem>> -> memref<128x128xf32, #tpu.memory_space<vmem>>
    %dma_start3A_17 = arith.constant 0 : i32
    %dma_start3A_18 = tpu.memref_slice %arg9[%dma_start3A_17] : memref<512xi32, #tpu.memory_space<vmem>> -> memref<128xi32, #tpu.memory_space<vmem>>
    %dma_start3A_19 = arith.constant 0 : i32
    %dma_start3A_20 = arith.constant 0 : i32
    %dma_start3A_21 = tpu.memref_slice %arg6[%dma_start3A_19, %dma_start3A_20] : memref<100000x128xf32, #tpu.memory_space<hbm>> -> memref<100000x128xf32, #tpu.memory_space<hbm>>
    tpu.enqueue_indirect_dma source(%dma_start3A_21 : memref<100000x128xf32, #tpu.memory_space<hbm>>) target(%dma_start3A_16 : memref<128x128xf32, #tpu.memory_space<vmem>>) offsets(%dma_start3A_18 : memref<128xi32, #tpu.memory_space<vmem>>) semaphore(%arg14 : memref<!tpu.dma_semaphore, #tpu.memory_space<semaphore_mem>>)
    %broadcast_in_dim3A = arith.constant 0.000000e+00 : f32
    %broadcast_in_dim3A_22 = vector.broadcast %broadcast_in_dim3A : f32 to vector<16xf32>
    %dma_start3A_23 = arith.constant 1 : i32
    %dma_start3A_24 = arith.constant 0 : i32
    %dma_start3A_25 = arith.constant 0 : i32
    %dma_start3A_26 = tpu.memref_slice %arg11[%dma_start3A_23, %dma_start3A_24, %dma_start3A_25] : memref<2x128x128xf32, #tpu.memory_space<vmem>> -> memref<1x128x128xf32, #tpu.memory_space<vmem>>
    %dma_start3A_27 = tpu.memref_squeeze %dma_start3A_26 : memref<1x128x128xf32, #tpu.memory_space<vmem>> -> memref<128x128xf32, #tpu.memory_space<vmem>>
    %dma_start3A_28 = arith.constant 128 : i32
    %dma_start3A_29 = tpu.memref_slice %arg8[%dma_start3A_28] : memref<512xi32, #tpu.memory_space<vmem>> -> memref<128xi32, #tpu.memory_space<vmem>>
    %dma_start3A_30 = arith.constant 0 : i32
    %dma_start3A_31 = arith.constant 0 : i32
    %dma_start3A_32 = tpu.memref_slice %arg5[%dma_start3A_30, %dma_start3A_31] : memref<100000x128xf32, #tpu.memory_space<hbm>> -> memref<100000x128xf32, #tpu.memory_space<hbm>>
    tpu.enqueue_indirect_dma source(%dma_start3A_32 : memref<100000x128xf32, #tpu.memory_space<hbm>>) target(%dma_start3A_27 : memref<128x128xf32, #tpu.memory_space<vmem>>) offsets(%dma_start3A_29 : memref<128xi32, #tpu.memory_space<vmem>>) semaphore(%arg15 : memref<!tpu.dma_semaphore, #tpu.memory_space<semaphore_mem>>)
    %dma_start3A_33 = arith.constant 1 : i32
    %dma_start3A_34 = arith.constant 0 : i32
    %dma_start3A_35 = arith.constant 0 : i32
    %dma_start3A_36 = tpu.memref_slice %arg12[%dma_start3A_33, %dma_start3A_34, %dma_start3A_35] : memref<2x128x128xf32, #tpu.memory_space<vmem>> -> memref<1x128x128xf32, #tpu.memory_space<vmem>>
    %dma_start3A_37 = tpu.memref_squeeze %dma_start3A_36 : memref<1x128x128xf32, #tpu.memory_space<vmem>> -> memref<128x128xf32, #tpu.memory_space<vmem>>
    %dma_start3A_38 = arith.constant 128 : i32
    %dma_start3A_39 = tpu.memref_slice %arg9[%dma_start3A_38] : memref<512xi32, #tpu.memory_space<vmem>> -> memref<128xi32, #tpu.memory_space<vmem>>
    %dma_start3A_40 = arith.constant 0 : i32
    %dma_start3A_41 = arith.constant 0 : i32
    %dma_start3A_42 = tpu.memref_slice %arg6[%dma_start3A_40, %dma_start3A_41] : memref<100000x128xf32, #tpu.memory_space<hbm>> -> memref<100000x128xf32, #tpu.memory_space<hbm>>
    tpu.enqueue_indirect_dma source(%dma_start3A_42 : memref<100000x128xf32, #tpu.memory_space<hbm>>) target(%dma_start3A_37 : memref<128x128xf32, #tpu.memory_space<vmem>>) offsets(%dma_start3A_39 : memref<128xi32, #tpu.memory_space<vmem>>) semaphore(%arg15 : memref<!tpu.dma_semaphore, #tpu.memory_space<semaphore_mem>>)
    %dma_wait3A = arith.constant 0 : i32
    %dma_wait3A_43 = arith.constant 0 : i32
    %dma_wait3A_44 = arith.constant 0 : i32
    %dma_wait3A_45 = tpu.memref_slice %arg11[%dma_wait3A, %dma_wait3A_43, %dma_wait3A_44] : memref<2x128x128xf32, #tpu.memory_space<vmem>> -> memref<1x128x128xf32, #tpu.memory_space<vmem>>
    %dma_wait3A_46 = tpu.memref_squeeze %dma_wait3A_45 : memref<1x128x128xf32, #tpu.memory_space<vmem>> -> memref<128x128xf32, #tpu.memory_space<vmem>>
    %dma_wait3A_47 = arith.constant 0 : i32
    %dma_wait3A_48 = tpu.memref_slice %arg8[%dma_wait3A_47] : memref<512xi32, #tpu.memory_space<vmem>> -> memref<128xi32, #tpu.memory_space<vmem>>
    %dma_wait3A_49 = arith.constant 0 : i32
    %dma_wait3A_50 = arith.constant 0 : i32
    %dma_wait3A_51 = tpu.memref_slice %arg5[%dma_wait3A_49, %dma_wait3A_50] : memref<100000x128xf32, #tpu.memory_space<hbm>> -> memref<100000x128xf32, #tpu.memory_space<hbm>>
    tpu.wait_indirect_dma semaphore(%arg14 : memref<!tpu.dma_semaphore, #tpu.memory_space<semaphore_mem>>) src(%dma_wait3A_51 : memref<100000x128xf32, #tpu.memory_space<hbm>>) dst(%dma_wait3A_46 : memref<128x128xf32, #tpu.memory_space<vmem>>)
    %dma_wait3A_52 = arith.constant 0 : i32
    %dma_wait3A_53 = arith.constant 0 : i32
    %dma_wait3A_54 = arith.constant 0 : i32
    %dma_wait3A_55 = tpu.memref_slice %arg12[%dma_wait3A_52, %dma_wait3A_53, %dma_wait3A_54] : memref<2x128x128xf32, #tpu.memory_space<vmem>> -> memref<1x128x128xf32, #tpu.memory_space<vmem>>
    %dma_wait3A_56 = tpu.memref_squeeze %dma_wait3A_55 : memref<1x128x128xf32, #tpu.memory_space<vmem>> -> memref<128x128xf32, #tpu.memory_space<vmem>>
    %dma_wait3A_57 = arith.constant 0 : i32
    %dma_wait3A_58 = tpu.memref_slice %arg9[%dma_wait3A_57] : memref<512xi32, #tpu.memory_space<vmem>> -> memref<128xi32, #tpu.memory_space<vmem>>
    %dma_wait3A_59 = arith.constant 0 : i32
    %dma_wait3A_60 = arith.constant 0 : i32
    %dma_wait3A_61 = tpu.memref_slice %arg6[%dma_wait3A_59, %dma_wait3A_60] : memref<100000x128xf32, #tpu.memory_space<hbm>> -> memref<100000x128xf32, #tpu.memory_space<hbm>>
    tpu.wait_indirect_dma semaphore(%arg14 : memref<!tpu.dma_semaphore, #tpu.memory_space<semaphore_mem>>) src(%dma_wait3A_61 : memref<100000x128xf32, #tpu.memory_space<hbm>>) dst(%dma_wait3A_56 : memref<128x128xf32, #tpu.memory_space<vmem>>)
    %parallel_loop3A = arith.constant 0 : i32
    %parallel_loop3A_62 = arith.constant 128 : i32
    %parallel_loop3A_63 = arith.constant 1 : i32
    %parallel_loop3A_64 = arith.constant 0 : i32
    %parallel_loop3A_65 = arith.constant 0 : i32
    %parallel_loop3A_66 = arith.constant 0.000000e+00 : f32
    %parallel_loop3A_67 = scf.for %parallel_loop3A_221 = %parallel_loop3A to %parallel_loop3A_62 step %parallel_loop3A_63 iter_args(%parallel_loop3A_222 = %parallel_loop3A_66) -> (f32)  : i32 {
      %parallel_loop3A_223 = arith.constant 0.000000e+00 : f32
      %parallel_loop3A_224 = vector.broadcast %parallel_loop3A_223 : f32 to vector<16xf32>
      %parallel_loop3A_225 = arith.constant 0.000000e+00 : f32
      %parallel_loop3A_226 = vector.broadcast %parallel_loop3A_225 : f32 to vector<16xf32>
      %parallel_loop3A_227 = arith.constant 0 : i32
      %parallel_loop3A_228 = arith.constant 0 : i32
      %parallel_loop3A_229 = tpu.memref_slice %arg11[%parallel_loop3A_64, %parallel_loop3A_227, %parallel_loop3A_228] : memref<2x128x128xf32, #tpu.memory_space<vmem>> -> memref<1x128x128xf32, #tpu.memory_space<vmem>>
      %parallel_loop3A_230 = tpu.memref_squeeze %parallel_loop3A_229 : memref<1x128x128xf32, #tpu.memory_space<vmem>> -> memref<128x128xf32, #tpu.memory_space<vmem>>
      %parallel_loop3A_231 = arith.index_cast %parallel_loop3A_221 : i32 to index
      %parallel_loop3A_232 = arith.constant 0 : index
      %parallel_loop3A_233 = tpu.vector_load %parallel_loop3A_230[%parallel_loop3A_231, %parallel_loop3A_232] {strides = array<i32>} : memref<128x128xf32, #tpu.memory_space<vmem>>, vector<16xf32>,
      %parallel_loop3A_234 = arith.constant 0 : i32
      %parallel_loop3A_235 = arith.constant 0 : i32
      %parallel_loop3A_236 = tpu.memref_slice %arg12[%parallel_loop3A_65, %parallel_loop3A_234, %parallel_loop3A_235] : memref<2x128x128xf32, #tpu.memory_space<vmem>> -> memref<1x128x128xf32, #tpu.memory_space<vmem>>
      %parallel_loop3A_237 = tpu.memref_squeeze %parallel_loop3A_236 : memref<1x128x128xf32, #tpu.memory_space<vmem>> -> memref<128x128xf32, #tpu.memory_space<vmem>>
      %parallel_loop3A_238 = arith.index_cast %parallel_loop3A_221 : i32 to index
      %parallel_loop3A_239 = arith.constant 0 : index
      %parallel_loop3A_240 = tpu.vector_load %parallel_loop3A_237[%parallel_loop3A_238, %parallel_loop3A_239] {strides = array<i32>} : memref<128x128xf32, #tpu.memory_space<vmem>>, vector<16xf32>,
      %parallel_loop3A_241 = arith.mulf %parallel_loop3A_233, %parallel_loop3A_240 : vector<16xf32>
      %parallel_loop3A_242 = arith.addf %parallel_loop3A_224, %parallel_loop3A_241 : vector<16xf32>
      %parallel_loop3A_243 = arith.constant 0 : i32
      %parallel_loop3A_244 = arith.constant 0 : i32
      %parallel_loop3A_245 = tpu.memref_slice %arg11[%parallel_loop3A_64, %parallel_loop3A_243, %parallel_loop3A_244] : memref<2x128x128xf32, #tpu.memory_space<vmem>> -> memref<1x128x128xf32, #tpu.memory_space<vmem>>
      %parallel_loop3A_246 = tpu.memref_squeeze %parallel_loop3A_245 : memref<1x128x128xf32, #tpu.memory_space<vmem>> -> memref<128x128xf32, #tpu.memory_space<vmem>>
      %parallel_loop3A_247 = arith.index_cast %parallel_loop3A_221 : i32 to index
      %parallel_loop3A_248 = arith.constant 16 : index
      %parallel_loop3A_249 = tpu.vector_load %parallel_loop3A_246[%parallel_loop3A_247, %parallel_loop3A_248] {strides = array<i32>} : memref<128x128xf32, #tpu.memory_space<vmem>>, vector<16xf32>,
      %parallel_loop3A_250 = arith.constant 0 : i32
      %parallel_loop3A_251 = arith.constant 0 : i32
      %parallel_loop3A_252 = tpu.memref_slice %arg12[%parallel_loop3A_65, %parallel_loop3A_250, %parallel_loop3A_251] : memref<2x128x128xf32, #tpu.memory_space<vmem>> -> memref<1x128x128xf32, #tpu.memory_space<vmem>>
      %parallel_loop3A_253 = tpu.memref_squeeze %parallel_loop3A_252 : memref<1x128x128xf32, #tpu.memory_space<vmem>> -> memref<128x128xf32, #tpu.memory_space<vmem>>
      %parallel_loop3A_254 = arith.index_cast %parallel_loop3A_221 : i32 to index
      %parallel_loop3A_255 = arith.constant 16 : index
      %parallel_loop3A_256 = tpu.vector_load %parallel_loop3A_253[%parallel_loop3A_254, %parallel_loop3A_255] {strides = array<i32>} : memref<128x128xf32, #tpu.memory_space<vmem>>, vector<16xf32>,
      %parallel_loop3A_257 = arith.mulf %parallel_loop3A_249, %parallel_loop3A_256 : vector<16xf32>
      %parallel_loop3A_258 = arith.addf %parallel_loop3A_226, %parallel_loop3A_257 : vector<16xf32>
      %parallel_loop3A_259 = arith.constant 0 : i32
      %parallel_loop3A_260 = arith.constant 0 : i32
      %parallel_loop3A_261 = tpu.memref_slice %arg11[%parallel_loop3A_64, %parallel_loop3A_259, %parallel_loop3A_260] : memref<2x128x128xf32, #tpu.memory_space<vmem>> -> memref<1x128x128xf32, #tpu.memory_space<vmem>>
      %parallel_loop3A_262 = tpu.memref_squeeze %parallel_loop3A_261 : memref<1x128x128xf32, #tpu.memory_space<vmem>> -> memref<128x128xf32, #tpu.memory_space<vmem>>
      %parallel_loop3A_263 = arith.index_cast %parallel_loop3A_221 : i32 to index
      %parallel_loop3A_264 = arith.constant 32 : index
      %parallel_loop3A_265 = tpu.vector_load %parallel_loop3A_262[%parallel_loop3A_263, %parallel_loop3A_264] {strides = array<i32>} : memref<128x128xf32, #tpu.memory_space<vmem>>, vector<16xf32>,
      %parallel_loop3A_266 = arith.constant 0 : i32
      %parallel_loop3A_267 = arith.constant 0 : i32
      %parallel_loop3A_268 = tpu.memref_slice %arg12[%parallel_loop3A_65, %parallel_loop3A_266, %parallel_loop3A_267] : memref<2x128x128xf32, #tpu.memory_space<vmem>> -> memref<1x128x128xf32, #tpu.memory_space<vmem>>
      %parallel_loop3A_269 = tpu.memref_squeeze %parallel_loop3A_268 : memref<1x128x128xf32, #tpu.memory_space<vmem>> -> memref<128x128xf32, #tpu.memory_space<vmem>>
      %parallel_loop3A_270 = arith.index_cast %parallel_loop3A_221 : i32 to index
      %parallel_loop3A_271 = arith.constant 32 : index
      %parallel_loop3A_272 = tpu.vector_load %parallel_loop3A_269[%parallel_loop3A_270, %parallel_loop3A_271] {strides = array<i32>} : memref<128x128xf32, #tpu.memory_space<vmem>>, vector<16xf32>,
      %parallel_loop3A_273 = arith.mulf %parallel_loop3A_265, %parallel_loop3A_272 : vector<16xf32>
      %parallel_loop3A_274 = arith.addf %parallel_loop3A_242, %parallel_loop3A_273 : vector<16xf32>
      %parallel_loop3A_275 = arith.constant 0 : i32
      %parallel_loop3A_276 = arith.constant 0 : i32
      %parallel_loop3A_277 = tpu.memref_slice %arg11[%parallel_loop3A_64, %parallel_loop3A_275, %parallel_loop3A_276] : memref<2x128x128xf32, #tpu.memory_space<vmem>> -> memref<1x128x128xf32, #tpu.memory_space<vmem>>
      %parallel_loop3A_278 = tpu.memref_squeeze %parallel_loop3A_277 : memref<1x128x128xf32, #tpu.memory_space<vmem>> -> memref<128x128xf32, #tpu.memory_space<vmem>>
      %parallel_loop3A_279 = arith.index_cast %parallel_loop3A_221 : i32 to index
      %parallel_loop3A_280 = arith.constant 48 : index
      %parallel_loop3A_281 = tpu.vector_load %parallel_loop3A_278[%parallel_loop3A_279, %parallel_loop3A_280] {strides = array<i32>} : memref<128x128xf32, #tpu.memory_space<vmem>>, vector<16xf32>,
      %parallel_loop3A_282 = arith.constant 0 : i32
      %parallel_loop3A_283 = arith.constant 0 : i32
      %parallel_loop3A_284 = tpu.memref_slice %arg12[%parallel_loop3A_65, %parallel_loop3A_282, %parallel_loop3A_283] : memref<2x128x128xf32, #tpu.memory_space<vmem>> -> memref<1x128x128xf32, #tpu.memory_space<vmem>>
      %parallel_loop3A_285 = tpu.memref_squeeze %parallel_loop3A_284 : memref<1x128x128xf32, #tpu.memory_space<vmem>> -> memref<128x128xf32, #tpu.memory_space<vmem>>
      %parallel_loop3A_286 = arith.index_cast %parallel_loop3A_221 : i32 to index
      %parallel_loop3A_287 = arith.constant 48 : index
      %parallel_loop3A_288 = tpu.vector_load %parallel_loop3A_285[%parallel_loop3A_286, %parallel_loop3A_287] {strides = array<i32>} : memref<128x128xf32, #tpu.memory_space<vmem>>, vector<16xf32>,
      %parallel_loop3A_289 = arith.mulf %parallel_loop3A_281, %parallel_loop3A_288 : vector<16xf32>
      %parallel_loop3A_290 = arith.addf %parallel_loop3A_258, %parallel_loop3A_289 : vector<16xf32>
      %parallel_loop3A_291 = arith.constant 0 : i32
      %parallel_loop3A_292 = arith.constant 0 : i32
      %parallel_loop3A_293 = tpu.memref_slice %arg11[%parallel_loop3A_64, %parallel_loop3A_291, %parallel_loop3A_292] : memref<2x128x128xf32, #tpu.memory_space<vmem>> -> memref<1x128x128xf32, #tpu.memory_space<vmem>>
      %parallel_loop3A_294 = tpu.memref_squeeze %parallel_loop3A_293 : memref<1x128x128xf32, #tpu.memory_space<vmem>> -> memref<128x128xf32, #tpu.memory_space<vmem>>
      %parallel_loop3A_295 = arith.index_cast %parallel_loop3A_221 : i32 to index
      %parallel_loop3A_296 = arith.constant 64 : index
      %parallel_loop3A_297 = tpu.vector_load %parallel_loop3A_294[%parallel_loop3A_295, %parallel_loop3A_296] {strides = array<i32>} : memref<128x128xf32, #tpu.memory_space<vmem>>, vector<16xf32>,
      %parallel_loop3A_298 = arith.constant 0 : i32
      %parallel_loop3A_299 = arith.constant 0 : i32
      %parallel_loop3A_300 = tpu.memref_slice %arg12[%parallel_loop3A_65, %parallel_loop3A_298, %parallel_loop3A_299] : memref<2x128x128xf32, #tpu.memory_space<vmem>> -> memref<1x128x128xf32, #tpu.memory_space<vmem>>
      %parallel_loop3A_301 = tpu.memref_squeeze %parallel_loop3A_300 : memref<1x128x128xf32, #tpu.memory_space<vmem>> -> memref<128x128xf32, #tpu.memory_space<vmem>>
      %parallel_loop3A_302 = arith.index_cast %parallel_loop3A_221 : i32 to index
      %parallel_loop3A_303 = arith.constant 64 : index
      %parallel_loop3A_304 = tpu.vector_load %parallel_loop3A_301[%parallel_loop3A_302, %parallel_loop3A_303] {strides = array<i32>} : memref<128x128xf32, #tpu.memory_space<vmem>>, vector<16xf32>,
      %parallel_loop3A_305 = arith.mulf %parallel_loop3A_297, %parallel_loop3A_304 : vector<16xf32>
      %parallel_loop3A_306 = arith.addf %parallel_loop3A_274, %parallel_loop3A_305 : vector<16xf32>
      %parallel_loop3A_307 = arith.constant 0 : i32
      %parallel_loop3A_308 = arith.constant 0 : i32
      %parallel_loop3A_309 = tpu.memref_slice %arg11[%parallel_loop3A_64, %parallel_loop3A_307, %parallel_loop3A_308] : memref<2x128x128xf32, #tpu.memory_space<vmem>> -> memref<1x128x128xf32, #tpu.memory_space<vmem>>
      %parallel_loop3A_310 = tpu.memref_squeeze %parallel_loop3A_309 : memref<1x128x128xf32, #tpu.memory_space<vmem>> -> memref<128x128xf32, #tpu.memory_space<vmem>>
      %parallel_loop3A_311 = arith.index_cast %parallel_loop3A_221 : i32 to index
      %parallel_loop3A_312 = arith.constant 80 : index
      %parallel_loop3A_313 = tpu.vector_load %parallel_loop3A_310[%parallel_loop3A_311, %parallel_loop3A_312] {strides = array<i32>} : memref<128x128xf32, #tpu.memory_space<vmem>>, vector<16xf32>,
      %parallel_loop3A_314 = arith.constant 0 : i32
      %parallel_loop3A_315 = arith.constant 0 : i32
      %parallel_loop3A_316 = tpu.memref_slice %arg12[%parallel_loop3A_65, %parallel_loop3A_314, %parallel_loop3A_315] : memref<2x128x128xf32, #tpu.memory_space<vmem>> -> memref<1x128x128xf32, #tpu.memory_space<vmem>>
      %parallel_loop3A_317 = tpu.memref_squeeze %parallel_loop3A_316 : memref<1x128x128xf32, #tpu.memory_space<vmem>> -> memref<128x128xf32, #tpu.memory_space<vmem>>
      %parallel_loop3A_318 = arith.index_cast %parallel_loop3A_221 : i32 to index
      %parallel_loop3A_319 = arith.constant 80 : index
      %parallel_loop3A_320 = tpu.vector_load %parallel_loop3A_317[%parallel_loop3A_318, %parallel_loop3A_319] {strides = array<i32>} : memref<128x128xf32, #tpu.memory_space<vmem>>, vector<16xf32>,
      %parallel_loop3A_321 = arith.mulf %parallel_loop3A_313, %parallel_loop3A_320 : vector<16xf32>
      %parallel_loop3A_322 = arith.addf %parallel_loop3A_290, %parallel_loop3A_321 : vector<16xf32>
      %parallel_loop3A_323 = arith.constant 0 : i32
      %parallel_loop3A_324 = arith.constant 0 : i32
      %parallel_loop3A_325 = tpu.memref_slice %arg11[%parallel_loop3A_64, %parallel_loop3A_323, %parallel_loop3A_324] : memref<2x128x128xf32, #tpu.memory_space<vmem>> -> memref<1x128x128xf32, #tpu.memory_space<vmem>>
      %parallel_loop3A_326 = tpu.memref_squeeze %parallel_loop3A_325 : memref<1x128x128xf32, #tpu.memory_space<vmem>> -> memref<128x128xf32, #tpu.memory_space<vmem>>
      %parallel_loop3A_327 = arith.index_cast %parallel_loop3A_221 : i32 to index
      %parallel_loop3A_328 = arith.constant 96 : index
      %parallel_loop3A_329 = tpu.vector_load %parallel_loop3A_326[%parallel_loop3A_327, %parallel_loop3A_328] {strides = array<i32>} : memref<128x128xf32, #tpu.memory_space<vmem>>, vector<16xf32>,
      %parallel_loop3A_330 = arith.constant 0 : i32
      %parallel_loop3A_331 = arith.constant 0 : i32
      %parallel_loop3A_332 = tpu.memref_slice %arg12[%parallel_loop3A_65, %parallel_loop3A_330, %parallel_loop3A_331] : memref<2x128x128xf32, #tpu.memory_space<vmem>> -> memref<1x128x128xf32, #tpu.memory_space<vmem>>
      %parallel_loop3A_333 = tpu.memref_squeeze %parallel_loop3A_332 : memref<1x128x128xf32, #tpu.memory_space<vmem>> -> memref<128x128xf32, #tpu.memory_space<vmem>>
      %parallel_loop3A_334 = arith.index_cast %parallel_loop3A_221 : i32 to index
      %parallel_loop3A_335 = arith.constant 96 : index
      %parallel_loop3A_336 = tpu.vector_load %parallel_loop3A_333[%parallel_loop3A_334, %parallel_loop3A_335] {strides = array<i32>} : memref<128x128xf32, #tpu.memory_space<vmem>>, vector<16xf32>,
      %parallel_loop3A_337 = arith.mulf %parallel_loop3A_329, %parallel_loop3A_336 : vector<16xf32>
      %parallel_loop3A_338 = arith.addf %parallel_loop3A_306, %parallel_loop3A_337 : vector<16xf32>
      %parallel_loop3A_339 = arith.constant 0 : i32
      %parallel_loop3A_340 = arith.constant 0 : i32
      %parallel_loop3A_341 = tpu.memref_slice %arg11[%parallel_loop3A_64, %parallel_loop3A_339, %parallel_loop3A_340] : memref<2x128x128xf32, #tpu.memory_space<vmem>> -> memref<1x128x128xf32, #tpu.memory_space<vmem>>
      %parallel_loop3A_342 = tpu.memref_squeeze %parallel_loop3A_341 : memref<1x128x128xf32, #tpu.memory_space<vmem>> -> memref<128x128xf32, #tpu.memory_space<vmem>>
      %parallel_loop3A_343 = arith.index_cast %parallel_loop3A_221 : i32 to index
      %parallel_loop3A_344 = arith.constant 112 : index
      %parallel_loop3A_345 = tpu.vector_load %parallel_loop3A_342[%parallel_loop3A_343, %parallel_loop3A_344] {strides = array<i32>} : memref<128x128xf32, #tpu.memory_space<vmem>>, vector<16xf32>,
      %parallel_loop3A_346 = arith.constant 0 : i32
      %parallel_loop3A_347 = arith.constant 0 : i32
      %parallel_loop3A_348 = tpu.memref_slice %arg12[%parallel_loop3A_65, %parallel_loop3A_346, %parallel_loop3A_347] : memref<2x128x128xf32, #tpu.memory_space<vmem>> -> memref<1x128x128xf32, #tpu.memory_space<vmem>>
      %parallel_loop3A_349 = tpu.memref_squeeze %parallel_loop3A_348 : memref<1x128x128xf32, #tpu.memory_space<vmem>> -> memref<128x128xf32, #tpu.memory_space<vmem>>
      %parallel_loop3A_350 = arith.index_cast %parallel_loop3A_221 : i32 to index
      %parallel_loop3A_351 = arith.constant 112 : index
      %parallel_loop3A_352 = tpu.vector_load %parallel_loop3A_349[%parallel_loop3A_350, %parallel_loop3A_351] {strides = array<i32>} : memref<128x128xf32, #tpu.memory_space<vmem>>, vector<16xf32>,
      %parallel_loop3A_353 = arith.mulf %parallel_loop3A_345, %parallel_loop3A_352 : vector<16xf32>
      %parallel_loop3A_354 = arith.addf %parallel_loop3A_322, %parallel_loop3A_353 : vector<16xf32>
      %parallel_loop3A_355 = arith.addf %parallel_loop3A_338, %parallel_loop3A_354 : vector<16xf32>
      %parallel_loop3A_356 = arith.constant true
      %parallel_loop3A_357 = vector.broadcast %parallel_loop3A_356 : i1 to vector<16xi1>
      %parallel_loop3A_358 = tpu.scan <sum>, %parallel_loop3A_355 masked %parallel_loop3A_357 : vector<16xf32>, vector<16xi1> -> vector<16xf32>
      %parallel_loop3A_359 = vector.extract %parallel_loop3A_358[15] : f32 from vector<16xf32>
      %parallel_loop3A_360 = arith.constant 0 : i32
      %parallel_loop3A_361 = arith.addi %parallel_loop3A_360, %parallel_loop3A_221 : i32
      %parallel_loop3A_362 = arith.index_cast %parallel_loop3A_361 : i32 to index
      %parallel_loop3A_363 = tpu.vector_load %arg10[%parallel_loop3A_362] {strides = array<i32>} : memref<528xf32, #tpu.memory_space<vmem>>, vector<16xf32>,
      %parallel_loop3A_364 = vector.extract_strided_slice %parallel_loop3A_363 {offsets = [0], sizes = [1], strides = [1]} : vector<16xf32> to vector<1xf32>
      %parallel_loop3A_365 = vector.extract %parallel_loop3A_364[0] : f32 from vector<1xf32>
      %parallel_loop3A_366 = arith.subf %parallel_loop3A_359, %parallel_loop3A_365 : f32
      %parallel_loop3A_367 = arith.mulf %parallel_loop3A_366, %parallel_loop3A_366 : f32
      %parallel_loop3A_368 = arith.addf %parallel_loop3A_222, %parallel_loop3A_367 : f32
      scf.yield %parallel_loop3A_368 : f32
    } {sc.loop_unroll_factor = 4 : i64, sc.parallel_access}
    %eq3A = arith.constant 0 : i32
    %eq3A_68 = vector.broadcast %eq3A : i32 to vector<16xi32>
    %eq3A_69 = arith.cmpi eq, %iota3A, %eq3A_68 : vector<16xi32>
    %jit3A = arith.constant 0.000000e+00 : f32
    %broadcast_in_dim3A_70 = vector.broadcast %parallel_loop3A_67 : f32 to vector<16xf32>
    %broadcast_in_dim3A_71 = vector.broadcast %jit3A : f32 to vector<16xf32>
    %select_n3A = arith.select %eq3A_69, %broadcast_in_dim3A_70, %broadcast_in_dim3A_71 : vector<16xi1>, vector<16xf32>
    %add3A_72 = arith.addf %broadcast_in_dim3A_22, %select_n3A : vector<16xf32>
    %dma_start3A_73 = arith.constant 0 : i32
    %dma_start3A_74 = arith.constant 0 : i32
    %dma_start3A_75 = arith.constant 0 : i32
    %dma_start3A_76 = tpu.memref_slice %arg11[%dma_start3A_73, %dma_start3A_74, %dma_start3A_75] : memref<2x128x128xf32, #tpu.memory_space<vmem>> -> memref<1x128x128xf32, #tpu.memory_space<vmem>>
    %dma_start3A_77 = tpu.memref_squeeze %dma_start3A_76 : memref<1x128x128xf32, #tpu.memory_space<vmem>> -> memref<128x128xf32, #tpu.memory_space<vmem>>
    %dma_start3A_78 = arith.constant 256 : i32
    %dma_start3A_79 = tpu.memref_slice %arg8[%dma_start3A_78] : memref<512xi32, #tpu.memory_space<vmem>> -> memref<128xi32, #tpu.memory_space<vmem>>
    %dma_start3A_80 = arith.constant 0 : i32
    %dma_start3A_81 = arith.constant 0 : i32
    %dma_start3A_82 = tpu.memref_slice %arg5[%dma_start3A_80, %dma_start3A_81] : memref<100000x128xf32, #tpu.memory_space<hbm>> -> memref<100000x128xf32, #tpu.memory_space<hbm>>
    tpu.enqueue_indirect_dma source(%dma_start3A_82 : memref<100000x128xf32, #tpu.memory_space<hbm>>) target(%dma_start3A_77 : memref<128x128xf32, #tpu.memory_space<vmem>>) offsets(%dma_start3A_79 : memref<128xi32, #tpu.memory_space<vmem>>) semaphore(%arg14 : memref<!tpu.dma_semaphore, #tpu.memory_space<semaphore_mem>>)
    %dma_start3A_83 = arith.constant 0 : i32
    %dma_start3A_84 = arith.constant 0 : i32
    %dma_start3A_85 = arith.constant 0 : i32
    %dma_start3A_86 = tpu.memref_slice %arg12[%dma_start3A_83, %dma_start3A_84, %dma_start3A_85] : memref<2x128x128xf32, #tpu.memory_space<vmem>> -> memref<1x128x128xf32, #tpu.memory_space<vmem>>
    %dma_start3A_87 = tpu.memref_squeeze %dma_start3A_86 : memref<1x128x128xf32, #tpu.memory_space<vmem>> -> memref<128x128xf32, #tpu.memory_space<vmem>>
    %dma_start3A_88 = arith.constant 256 : i32
    %dma_start3A_89 = tpu.memref_slice %arg9[%dma_start3A_88] : memref<512xi32, #tpu.memory_space<vmem>> -> memref<128xi32, #tpu.memory_space<vmem>>
    %dma_start3A_90 = arith.constant 0 : i32
    %dma_start3A_91 = arith.constant 0 : i32
    %dma_start3A_92 = tpu.memref_slice %arg6[%dma_start3A_90, %dma_start3A_91] : memref<100000x128xf32, #tpu.memory_space<hbm>> -> memref<100000x128xf32, #tpu.memory_space<hbm>>
    tpu.enqueue_indirect_dma source(%dma_start3A_92 : memref<100000x128xf32, #tpu.memory_space<hbm>>) target(%dma_start3A_87 : memref<128x128xf32, #tpu.memory_space<vmem>>) offsets(%dma_start3A_89 : memref<128xi32, #tpu.memory_space<vmem>>) semaphore(%arg14 : memref<!tpu.dma_semaphore, #tpu.memory_space<semaphore_mem>>)
    %dma_wait3A_93 = arith.constant 1 : i32
    %dma_wait3A_94 = arith.constant 0 : i32
    %dma_wait3A_95 = arith.constant 0 : i32
    %dma_wait3A_96 = tpu.memref_slice %arg11[%dma_wait3A_93, %dma_wait3A_94, %dma_wait3A_95] : memref<2x128x128xf32, #tpu.memory_space<vmem>> -> memref<1x128x128xf32, #tpu.memory_space<vmem>>
    %dma_wait3A_97 = tpu.memref_squeeze %dma_wait3A_96 : memref<1x128x128xf32, #tpu.memory_space<vmem>> -> memref<128x128xf32, #tpu.memory_space<vmem>>
    %dma_wait3A_98 = arith.constant 128 : i32
    %dma_wait3A_99 = tpu.memref_slice %arg8[%dma_wait3A_98] : memref<512xi32, #tpu.memory_space<vmem>> -> memref<128xi32, #tpu.memory_space<vmem>>
    %dma_wait3A_100 = arith.constant 0 : i32
    %dma_wait3A_101 = arith.constant 0 : i32
    %dma_wait3A_102 = tpu.memref_slice %arg5[%dma_wait3A_100, %dma_wait3A_101] : memref<100000x128xf32, #tpu.memory_space<hbm>> -> memref<100000x128xf32, #tpu.memory_space<hbm>>
    tpu.wait_indirect_dma semaphore(%arg15 : memref<!tpu.dma_semaphore, #tpu.memory_space<semaphore_mem>>) src(%dma_wait3A_102 : memref<100000x128xf32, #tpu.memory_space<hbm>>) dst(%dma_wait3A_97 : memref<128x128xf32, #tpu.memory_space<vmem>>)
    %dma_wait3A_103 = arith.constant 1 : i32
    %dma_wait3A_104 = arith.constant 0 : i32
    %dma_wait3A_105 = arith.constant 0 : i32
    %dma_wait3A_106 = tpu.memref_slice %arg12[%dma_wait3A_103, %dma_wait3A_104, %dma_wait3A_105] : memref<2x128x128xf32, #tpu.memory_space<vmem>> -> memref<1x128x128xf32, #tpu.memory_space<vmem>>
    %dma_wait3A_107 = tpu.memref_squeeze %dma_wait3A_106 : memref<1x128x128xf32, #tpu.memory_space<vmem>> -> memref<128x128xf32, #tpu.memory_space<vmem>>
    %dma_wait3A_108 = arith.constant 128 : i32
    %dma_wait3A_109 = tpu.memref_slice %arg9[%dma_wait3A_108] : memref<512xi32, #tpu.memory_space<vmem>> -> memref<128xi32, #tpu.memory_space<vmem>>
    %dma_wait3A_110 = arith.constant 0 : i32
    %dma_wait3A_111 = arith.constant 0 : i32
    %dma_wait3A_112 = tpu.memref_slice %arg6[%dma_wait3A_110, %dma_wait3A_111] : memref<100000x128xf32, #tpu.memory_space<hbm>> -> memref<100000x128xf32, #tpu.memory_space<hbm>>
    tpu.wait_indirect_dma semaphore(%arg15 : memref<!tpu.dma_semaphore, #tpu.memory_space<semaphore_mem>>) src(%dma_wait3A_112 : memref<100000x128xf32, #tpu.memory_space<hbm>>) dst(%dma_wait3A_107 : memref<128x128xf32, #tpu.memory_space<vmem>>)
    %parallel_loop3A_113 = arith.constant 0 : i32
    %parallel_loop3A_114 = arith.constant 128 : i32
    %parallel_loop3A_115 = arith.constant 1 : i32
    %parallel_loop3A_116 = arith.constant 1 : i32
    %parallel_loop3A_117 = arith.constant 1 : i32
    %parallel_loop3A_118 = arith.constant 0.000000e+00 : f32
    %parallel_loop3A_119 = scf.for %parallel_loop3A_221 = %parallel_loop3A_113 to %parallel_loop3A_114 step %parallel_loop3A_115 iter_args(%parallel_loop3A_222 = %parallel_loop3A_118) -> (f32)  : i32 {
      %parallel_loop3A_223 = arith.constant 0.000000e+00 : f32
      %parallel_loop3A_224 = vector.broadcast %parallel_loop3A_223 : f32 to vector<16xf32>
      %parallel_loop3A_225 = arith.constant 0.000000e+00 : f32
      %parallel_loop3A_226 = vector.broadcast %parallel_loop3A_225 : f32 to vector<16xf32>
      %parallel_loop3A_227 = arith.constant 0 : i32
      %parallel_loop3A_228 = arith.constant 0 : i32
      %parallel_loop3A_229 = tpu.memref_slice %arg11[%parallel_loop3A_116, %parallel_loop3A_227, %parallel_loop3A_228] : memref<2x128x128xf32, #tpu.memory_space<vmem>> -> memref<1x128x128xf32, #tpu.memory_space<vmem>>
      %parallel_loop3A_230 = tpu.memref_squeeze %parallel_loop3A_229 : memref<1x128x128xf32, #tpu.memory_space<vmem>> -> memref<128x128xf32, #tpu.memory_space<vmem>>
      %parallel_loop3A_231 = arith.index_cast %parallel_loop3A_221 : i32 to index
      %parallel_loop3A_232 = arith.constant 0 : index
      %parallel_loop3A_233 = tpu.vector_load %parallel_loop3A_230[%parallel_loop3A_231, %parallel_loop3A_232] {strides = array<i32>} : memref<128x128xf32, #tpu.memory_space<vmem>>, vector<16xf32>,
      %parallel_loop3A_234 = arith.constant 0 : i32
      %parallel_loop3A_235 = arith.constant 0 : i32
      %parallel_loop3A_236 = tpu.memref_slice %arg12[%parallel_loop3A_117, %parallel_loop3A_234, %parallel_loop3A_235] : memref<2x128x128xf32, #tpu.memory_space<vmem>> -> memref<1x128x128xf32, #tpu.memory_space<vmem>>
      %parallel_loop3A_237 = tpu.memref_squeeze %parallel_loop3A_236 : memref<1x128x128xf32, #tpu.memory_space<vmem>> -> memref<128x128xf32, #tpu.memory_space<vmem>>
      %parallel_loop3A_238 = arith.index_cast %parallel_loop3A_221 : i32 to index
      %parallel_loop3A_239 = arith.constant 0 : index
      %parallel_loop3A_240 = tpu.vector_load %parallel_loop3A_237[%parallel_loop3A_238, %parallel_loop3A_239] {strides = array<i32>} : memref<128x128xf32, #tpu.memory_space<vmem>>, vector<16xf32>,
      %parallel_loop3A_241 = arith.mulf %parallel_loop3A_233, %parallel_loop3A_240 : vector<16xf32>
      %parallel_loop3A_242 = arith.addf %parallel_loop3A_224, %parallel_loop3A_241 : vector<16xf32>
      %parallel_loop3A_243 = arith.constant 0 : i32
      %parallel_loop3A_244 = arith.constant 0 : i32
      %parallel_loop3A_245 = tpu.memref_slice %arg11[%parallel_loop3A_116, %parallel_loop3A_243, %parallel_loop3A_244] : memref<2x128x128xf32, #tpu.memory_space<vmem>> -> memref<1x128x128xf32, #tpu.memory_space<vmem>>
      %parallel_loop3A_246 = tpu.memref_squeeze %parallel_loop3A_245 : memref<1x128x128xf32, #tpu.memory_space<vmem>> -> memref<128x128xf32, #tpu.memory_space<vmem>>
      %parallel_loop3A_247 = arith.index_cast %parallel_loop3A_221 : i32 to index
      %parallel_loop3A_248 = arith.constant 16 : index
      %parallel_loop3A_249 = tpu.vector_load %parallel_loop3A_246[%parallel_loop3A_247, %parallel_loop3A_248] {strides = array<i32>} : memref<128x128xf32, #tpu.memory_space<vmem>>, vector<16xf32>,
      %parallel_loop3A_250 = arith.constant 0 : i32
      %parallel_loop3A_251 = arith.constant 0 : i32
      %parallel_loop3A_252 = tpu.memref_slice %arg12[%parallel_loop3A_117, %parallel_loop3A_250, %parallel_loop3A_251] : memref<2x128x128xf32, #tpu.memory_space<vmem>> -> memref<1x128x128xf32, #tpu.memory_space<vmem>>
      %parallel_loop3A_253 = tpu.memref_squeeze %parallel_loop3A_252 : memref<1x128x128xf32, #tpu.memory_space<vmem>> -> memref<128x128xf32, #tpu.memory_space<vmem>>
      %parallel_loop3A_254 = arith.index_cast %parallel_loop3A_221 : i32 to index
      %parallel_loop3A_255 = arith.constant 16 : index
      %parallel_loop3A_256 = tpu.vector_load %parallel_loop3A_253[%parallel_loop3A_254, %parallel_loop3A_255] {strides = array<i32>} : memref<128x128xf32, #tpu.memory_space<vmem>>, vector<16xf32>,
      %parallel_loop3A_257 = arith.mulf %parallel_loop3A_249, %parallel_loop3A_256 : vector<16xf32>
      %parallel_loop3A_258 = arith.addf %parallel_loop3A_226, %parallel_loop3A_257 : vector<16xf32>
      %parallel_loop3A_259 = arith.constant 0 : i32
      %parallel_loop3A_260 = arith.constant 0 : i32
      %parallel_loop3A_261 = tpu.memref_slice %arg11[%parallel_loop3A_116, %parallel_loop3A_259, %parallel_loop3A_260] : memref<2x128x128xf32, #tpu.memory_space<vmem>> -> memref<1x128x128xf32, #tpu.memory_space<vmem>>
      %parallel_loop3A_262 = tpu.memref_squeeze %parallel_loop3A_261 : memref<1x128x128xf32, #tpu.memory_space<vmem>> -> memref<128x128xf32, #tpu.memory_space<vmem>>
      %parallel_loop3A_263 = arith.index_cast %parallel_loop3A_221 : i32 to index
      %parallel_loop3A_264 = arith.constant 32 : index
      %parallel_loop3A_265 = tpu.vector_load %parallel_loop3A_262[%parallel_loop3A_263, %parallel_loop3A_264] {strides = array<i32>} : memref<128x128xf32, #tpu.memory_space<vmem>>, vector<16xf32>,
      %parallel_loop3A_266 = arith.constant 0 : i32
      %parallel_loop3A_267 = arith.constant 0 : i32
      %parallel_loop3A_268 = tpu.memref_slice %arg12[%parallel_loop3A_117, %parallel_loop3A_266, %parallel_loop3A_267] : memref<2x128x128xf32, #tpu.memory_space<vmem>> -> memref<1x128x128xf32, #tpu.memory_space<vmem>>
      %parallel_loop3A_269 = tpu.memref_squeeze %parallel_loop3A_268 : memref<1x128x128xf32, #tpu.memory_space<vmem>> -> memref<128x128xf32, #tpu.memory_space<vmem>>
      %parallel_loop3A_270 = arith.index_cast %parallel_loop3A_221 : i32 to index
      %parallel_loop3A_271 = arith.constant 32 : index
      %parallel_loop3A_272 = tpu.vector_load %parallel_loop3A_269[%parallel_loop3A_270, %parallel_loop3A_271] {strides = array<i32>} : memref<128x128xf32, #tpu.memory_space<vmem>>, vector<16xf32>,
      %parallel_loop3A_273 = arith.mulf %parallel_loop3A_265, %parallel_loop3A_272 : vector<16xf32>
      %parallel_loop3A_274 = arith.addf %parallel_loop3A_242, %parallel_loop3A_273 : vector<16xf32>
      %parallel_loop3A_275 = arith.constant 0 : i32
      %parallel_loop3A_276 = arith.constant 0 : i32
      %parallel_loop3A_277 = tpu.memref_slice %arg11[%parallel_loop3A_116, %parallel_loop3A_275, %parallel_loop3A_276] : memref<2x128x128xf32, #tpu.memory_space<vmem>> -> memref<1x128x128xf32, #tpu.memory_space<vmem>>
      %parallel_loop3A_278 = tpu.memref_squeeze %parallel_loop3A_277 : memref<1x128x128xf32, #tpu.memory_space<vmem>> -> memref<128x128xf32, #tpu.memory_space<vmem>>
      %parallel_loop3A_279 = arith.index_cast %parallel_loop3A_221 : i32 to index
      %parallel_loop3A_280 = arith.constant 48 : index
      %parallel_loop3A_281 = tpu.vector_load %parallel_loop3A_278[%parallel_loop3A_279, %parallel_loop3A_280] {strides = array<i32>} : memref<128x128xf32, #tpu.memory_space<vmem>>, vector<16xf32>,
      %parallel_loop3A_282 = arith.constant 0 : i32
      %parallel_loop3A_283 = arith.constant 0 : i32
      %parallel_loop3A_284 = tpu.memref_slice %arg12[%parallel_loop3A_117, %parallel_loop3A_282, %parallel_loop3A_283] : memref<2x128x128xf32, #tpu.memory_space<vmem>> -> memref<1x128x128xf32, #tpu.memory_space<vmem>>
      %parallel_loop3A_285 = tpu.memref_squeeze %parallel_loop3A_284 : memref<1x128x128xf32, #tpu.memory_space<vmem>> -> memref<128x128xf32, #tpu.memory_space<vmem>>
      %parallel_loop3A_286 = arith.index_cast %parallel_loop3A_221 : i32 to index
      %parallel_loop3A_287 = arith.constant 48 : index
      %parallel_loop3A_288 = tpu.vector_load %parallel_loop3A_285[%parallel_loop3A_286, %parallel_loop3A_287] {strides = array<i32>} : memref<128x128xf32, #tpu.memory_space<vmem>>, vector<16xf32>,
      %parallel_loop3A_289 = arith.mulf %parallel_loop3A_281, %parallel_loop3A_288 : vector<16xf32>
      %parallel_loop3A_290 = arith.addf %parallel_loop3A_258, %parallel_loop3A_289 : vector<16xf32>
      %parallel_loop3A_291 = arith.constant 0 : i32
      %parallel_loop3A_292 = arith.constant 0 : i32
      %parallel_loop3A_293 = tpu.memref_slice %arg11[%parallel_loop3A_116, %parallel_loop3A_291, %parallel_loop3A_292] : memref<2x128x128xf32, #tpu.memory_space<vmem>> -> memref<1x128x128xf32, #tpu.memory_space<vmem>>
      %parallel_loop3A_294 = tpu.memref_squeeze %parallel_loop3A_293 : memref<1x128x128xf32, #tpu.memory_space<vmem>> -> memref<128x128xf32, #tpu.memory_space<vmem>>
      %parallel_loop3A_295 = arith.index_cast %parallel_loop3A_221 : i32 to index
      %parallel_loop3A_296 = arith.constant 64 : index
      %parallel_loop3A_297 = tpu.vector_load %parallel_loop3A_294[%parallel_loop3A_295, %parallel_loop3A_296] {strides = array<i32>} : memref<128x128xf32, #tpu.memory_space<vmem>>, vector<16xf32>,
      %parallel_loop3A_298 = arith.constant 0 : i32
      %parallel_loop3A_299 = arith.constant 0 : i32
      %parallel_loop3A_300 = tpu.memref_slice %arg12[%parallel_loop3A_117, %parallel_loop3A_298, %parallel_loop3A_299] : memref<2x128x128xf32, #tpu.memory_space<vmem>> -> memref<1x128x128xf32, #tpu.memory_space<vmem>>
      %parallel_loop3A_301 = tpu.memref_squeeze %parallel_loop3A_300 : memref<1x128x128xf32, #tpu.memory_space<vmem>> -> memref<128x128xf32, #tpu.memory_space<vmem>>
      %parallel_loop3A_302 = arith.index_cast %parallel_loop3A_221 : i32 to index
      %parallel_loop3A_303 = arith.constant 64 : index
      %parallel_loop3A_304 = tpu.vector_load %parallel_loop3A_301[%parallel_loop3A_302, %parallel_loop3A_303] {strides = array<i32>} : memref<128x128xf32, #tpu.memory_space<vmem>>, vector<16xf32>,
      %parallel_loop3A_305 = arith.mulf %parallel_loop3A_297, %parallel_loop3A_304 : vector<16xf32>
      %parallel_loop3A_306 = arith.addf %parallel_loop3A_274, %parallel_loop3A_305 : vector<16xf32>
      %parallel_loop3A_307 = arith.constant 0 : i32
      %parallel_loop3A_308 = arith.constant 0 : i32
      %parallel_loop3A_309 = tpu.memref_slice %arg11[%parallel_loop3A_116, %parallel_loop3A_307, %parallel_loop3A_308] : memref<2x128x128xf32, #tpu.memory_space<vmem>> -> memref<1x128x128xf32, #tpu.memory_space<vmem>>
      %parallel_loop3A_310 = tpu.memref_squeeze %parallel_loop3A_309 : memref<1x128x128xf32, #tpu.memory_space<vmem>> -> memref<128x128xf32, #tpu.memory_space<vmem>>
      %parallel_loop3A_311 = arith.index_cast %parallel_loop3A_221 : i32 to index
      %parallel_loop3A_312 = arith.constant 80 : index
      %parallel_loop3A_313 = tpu.vector_load %parallel_loop3A_310[%parallel_loop3A_311, %parallel_loop3A_312] {strides = array<i32>} : memref<128x128xf32, #tpu.memory_space<vmem>>, vector<16xf32>,
      %parallel_loop3A_314 = arith.constant 0 : i32
      %parallel_loop3A_315 = arith.constant 0 : i32
      %parallel_loop3A_316 = tpu.memref_slice %arg12[%parallel_loop3A_117, %parallel_loop3A_314, %parallel_loop3A_315] : memref<2x128x128xf32, #tpu.memory_space<vmem>> -> memref<1x128x128xf32, #tpu.memory_space<vmem>>
      %parallel_loop3A_317 = tpu.memref_squeeze %parallel_loop3A_316 : memref<1x128x128xf32, #tpu.memory_space<vmem>> -> memref<128x128xf32, #tpu.memory_space<vmem>>
      %parallel_loop3A_318 = arith.index_cast %parallel_loop3A_221 : i32 to index
      %parallel_loop3A_319 = arith.constant 80 : index
      %parallel_loop3A_320 = tpu.vector_load %parallel_loop3A_317[%parallel_loop3A_318, %parallel_loop3A_319] {strides = array<i32>} : memref<128x128xf32, #tpu.memory_space<vmem>>, vector<16xf32>,
      %parallel_loop3A_321 = arith.mulf %parallel_loop3A_313, %parallel_loop3A_320 : vector<16xf32>
      %parallel_loop3A_322 = arith.addf %parallel_loop3A_290, %parallel_loop3A_321 : vector<16xf32>
      %parallel_loop3A_323 = arith.constant 0 : i32
      %parallel_loop3A_324 = arith.constant 0 : i32
      %parallel_loop3A_325 = tpu.memref_slice %arg11[%parallel_loop3A_116, %parallel_loop3A_323, %parallel_loop3A_324] : memref<2x128x128xf32, #tpu.memory_space<vmem>> -> memref<1x128x128xf32, #tpu.memory_space<vmem>>
      %parallel_loop3A_326 = tpu.memref_squeeze %parallel_loop3A_325 : memref<1x128x128xf32, #tpu.memory_space<vmem>> -> memref<128x128xf32, #tpu.memory_space<vmem>>
      %parallel_loop3A_327 = arith.index_cast %parallel_loop3A_221 : i32 to index
      %parallel_loop3A_328 = arith.constant 96 : index
      %parallel_loop3A_329 = tpu.vector_load %parallel_loop3A_326[%parallel_loop3A_327, %parallel_loop3A_328] {strides = array<i32>} : memref<128x128xf32, #tpu.memory_space<vmem>>, vector<16xf32>,
      %parallel_loop3A_330 = arith.constant 0 : i32
      %parallel_loop3A_331 = arith.constant 0 : i32
      %parallel_loop3A_332 = tpu.memref_slice %arg12[%parallel_loop3A_117, %parallel_loop3A_330, %parallel_loop3A_331] : memref<2x128x128xf32, #tpu.memory_space<vmem>> -> memref<1x128x128xf32, #tpu.memory_space<vmem>>
      %parallel_loop3A_333 = tpu.memref_squeeze %parallel_loop3A_332 : memref<1x128x128xf32, #tpu.memory_space<vmem>> -> memref<128x128xf32, #tpu.memory_space<vmem>>
      %parallel_loop3A_334 = arith.index_cast %parallel_loop3A_221 : i32 to index
      %parallel_loop3A_335 = arith.constant 96 : index
      %parallel_loop3A_336 = tpu.vector_load %parallel_loop3A_333[%parallel_loop3A_334, %parallel_loop3A_335] {strides = array<i32>} : memref<128x128xf32, #tpu.memory_space<vmem>>, vector<16xf32>,
      %parallel_loop3A_337 = arith.mulf %parallel_loop3A_329, %parallel_loop3A_336 : vector<16xf32>
      %parallel_loop3A_338 = arith.addf %parallel_loop3A_306, %parallel_loop3A_337 : vector<16xf32>
      %parallel_loop3A_339 = arith.constant 0 : i32
      %parallel_loop3A_340 = arith.constant 0 : i32
      %parallel_loop3A_341 = tpu.memref_slice %arg11[%parallel_loop3A_116, %parallel_loop3A_339, %parallel_loop3A_340] : memref<2x128x128xf32, #tpu.memory_space<vmem>> -> memref<1x128x128xf32, #tpu.memory_space<vmem>>
      %parallel_loop3A_342 = tpu.memref_squeeze %parallel_loop3A_341 : memref<1x128x128xf32, #tpu.memory_space<vmem>> -> memref<128x128xf32, #tpu.memory_space<vmem>>
      %parallel_loop3A_343 = arith.index_cast %parallel_loop3A_221 : i32 to index
      %parallel_loop3A_344 = arith.constant 112 : index
      %parallel_loop3A_345 = tpu.vector_load %parallel_loop3A_342[%parallel_loop3A_343, %parallel_loop3A_344] {strides = array<i32>} : memref<128x128xf32, #tpu.memory_space<vmem>>, vector<16xf32>,
      %parallel_loop3A_346 = arith.constant 0 : i32
      %parallel_loop3A_347 = arith.constant 0 : i32
      %parallel_loop3A_348 = tpu.memref_slice %arg12[%parallel_loop3A_117, %parallel_loop3A_346, %parallel_loop3A_347] : memref<2x128x128xf32, #tpu.memory_space<vmem>> -> memref<1x128x128xf32, #tpu.memory_space<vmem>>
      %parallel_loop3A_349 = tpu.memref_squeeze %parallel_loop3A_348 : memref<1x128x128xf32, #tpu.memory_space<vmem>> -> memref<128x128xf32, #tpu.memory_space<vmem>>
      %parallel_loop3A_350 = arith.index_cast %parallel_loop3A_221 : i32 to index
      %parallel_loop3A_351 = arith.constant 112 : index
      %parallel_loop3A_352 = tpu.vector_load %parallel_loop3A_349[%parallel_loop3A_350, %parallel_loop3A_351] {strides = array<i32>} : memref<128x128xf32, #tpu.memory_space<vmem>>, vector<16xf32>,
      %parallel_loop3A_353 = arith.mulf %parallel_loop3A_345, %parallel_loop3A_352 : vector<16xf32>
      %parallel_loop3A_354 = arith.addf %parallel_loop3A_322, %parallel_loop3A_353 : vector<16xf32>
      %parallel_loop3A_355 = arith.addf %parallel_loop3A_338, %parallel_loop3A_354 : vector<16xf32>
      %parallel_loop3A_356 = arith.constant true
      %parallel_loop3A_357 = vector.broadcast %parallel_loop3A_356 : i1 to vector<16xi1>
      %parallel_loop3A_358 = tpu.scan <sum>, %parallel_loop3A_355 masked %parallel_loop3A_357 : vector<16xf32>, vector<16xi1> -> vector<16xf32>
      %parallel_loop3A_359 = vector.extract %parallel_loop3A_358[15] : f32 from vector<16xf32>
      %parallel_loop3A_360 = arith.constant 128 : i32
      %parallel_loop3A_361 = arith.addi %parallel_loop3A_360, %parallel_loop3A_221 : i32
      %parallel_loop3A_362 = arith.index_cast %parallel_loop3A_361 : i32 to index
      %parallel_loop3A_363 = tpu.vector_load %arg10[%parallel_loop3A_362] {strides = array<i32>} : memref<528xf32, #tpu.memory_space<vmem>>, vector<16xf32>,
      %parallel_loop3A_364 = vector.extract_strided_slice %parallel_loop3A_363 {offsets = [0], sizes = [1], strides = [1]} : vector<16xf32> to vector<1xf32>
      %parallel_loop3A_365 = vector.extract %parallel_loop3A_364[0] : f32 from vector<1xf32>
      %parallel_loop3A_366 = arith.subf %parallel_loop3A_359, %parallel_loop3A_365 : f32
      %parallel_loop3A_367 = arith.mulf %parallel_loop3A_366, %parallel_loop3A_366 : f32
      %parallel_loop3A_368 = arith.addf %parallel_loop3A_222, %parallel_loop3A_367 : f32
      scf.yield %parallel_loop3A_368 : f32
    } {sc.loop_unroll_factor = 4 : i64, sc.parallel_access}
    %eq3A_120 = arith.constant 0 : i32
    %eq3A_121 = vector.broadcast %eq3A_120 : i32 to vector<16xi32>
    %eq3A_122 = arith.cmpi eq, %iota3A, %eq3A_121 : vector<16xi32>
    %jit3A_123 = arith.constant 0.000000e+00 : f32
    %broadcast_in_dim3A_124 = vector.broadcast %parallel_loop3A_119 : f32 to vector<16xf32>
    %broadcast_in_dim3A_125 = vector.broadcast %jit3A_123 : f32 to vector<16xf32>
    %select_n3A_126 = arith.select %eq3A_122, %broadcast_in_dim3A_124, %broadcast_in_dim3A_125 : vector<16xi1>, vector<16xf32>
    %add3A_127 = arith.addf %add3A_72, %select_n3A_126 : vector<16xf32>
    %dma_start3A_128 = arith.constant 1 : i32
    %dma_start3A_129 = arith.constant 0 : i32
    %dma_start3A_130 = arith.constant 0 : i32
    %dma_start3A_131 = tpu.memref_slice %arg11[%dma_start3A_128, %dma_start3A_129, %dma_start3A_130] : memref<2x128x128xf32, #tpu.memory_space<vmem>> -> memref<1x128x128xf32, #tpu.memory_space<vmem>>
    %dma_start3A_132 = tpu.memref_squeeze %dma_start3A_131 : memref<1x128x128xf32, #tpu.memory_space<vmem>> -> memref<128x128xf32, #tpu.memory_space<vmem>>
    %dma_start3A_133 = arith.constant 384 : i32
    %dma_start3A_134 = tpu.memref_slice %arg8[%dma_start3A_133] : memref<512xi32, #tpu.memory_space<vmem>> -> memref<128xi32, #tpu.memory_space<vmem>>
    %dma_start3A_135 = arith.constant 0 : i32
    %dma_start3A_136 = arith.constant 0 : i32
    %dma_start3A_137 = tpu.memref_slice %arg5[%dma_start3A_135, %dma_start3A_136] : memref<100000x128xf32, #tpu.memory_space<hbm>> -> memref<100000x128xf32, #tpu.memory_space<hbm>>
    tpu.enqueue_indirect_dma source(%dma_start3A_137 : memref<100000x128xf32, #tpu.memory_space<hbm>>) target(%dma_start3A_132 : memref<128x128xf32, #tpu.memory_space<vmem>>) offsets(%dma_start3A_134 : memref<128xi32, #tpu.memory_space<vmem>>) semaphore(%arg15 : memref<!tpu.dma_semaphore, #tpu.memory_space<semaphore_mem>>)
    %dma_start3A_138 = arith.constant 1 : i32
    %dma_start3A_139 = arith.constant 0 : i32
    %dma_start3A_140 = arith.constant 0 : i32
    %dma_start3A_141 = tpu.memref_slice %arg12[%dma_start3A_138, %dma_start3A_139, %dma_start3A_140] : memref<2x128x128xf32, #tpu.memory_space<vmem>> -> memref<1x128x128xf32, #tpu.memory_space<vmem>>
    %dma_start3A_142 = tpu.memref_squeeze %dma_start3A_141 : memref<1x128x128xf32, #tpu.memory_space<vmem>> -> memref<128x128xf32, #tpu.memory_space<vmem>>
    %dma_start3A_143 = arith.constant 384 : i32
    %dma_start3A_144 = tpu.memref_slice %arg9[%dma_start3A_143] : memref<512xi32, #tpu.memory_space<vmem>> -> memref<128xi32, #tpu.memory_space<vmem>>
    %dma_start3A_145 = arith.constant 0 : i32
    %dma_start3A_146 = arith.constant 0 : i32
    %dma_start3A_147 = tpu.memref_slice %arg6[%dma_start3A_145, %dma_start3A_146] : memref<100000x128xf32, #tpu.memory_space<hbm>> -> memref<100000x128xf32, #tpu.memory_space<hbm>>
    tpu.enqueue_indirect_dma source(%dma_start3A_147 : memref<100000x128xf32, #tpu.memory_space<hbm>>) target(%dma_start3A_142 : memref<128x128xf32, #tpu.memory_space<vmem>>) offsets(%dma_start3A_144 : memref<128xi32, #tpu.memory_space<vmem>>) semaphore(%arg15 : memref<!tpu.dma_semaphore, #tpu.memory_space<semaphore_mem>>)
    %dma_wait3A_148 = arith.constant 0 : i32
    %dma_wait3A_149 = arith.constant 0 : i32
    %dma_wait3A_150 = arith.constant 0 : i32
    %dma_wait3A_151 = tpu.memref_slice %arg11[%dma_wait3A_148, %dma_wait3A_149, %dma_wait3A_150] : memref<2x128x128xf32, #tpu.memory_space<vmem>> -> memref<1x128x128xf32, #tpu.memory_space<vmem>>
    %dma_wait3A_152 = tpu.memref_squeeze %dma_wait3A_151 : memref<1x128x128xf32, #tpu.memory_space<vmem>> -> memref<128x128xf32, #tpu.memory_space<vmem>>
    %dma_wait3A_153 = arith.constant 256 : i32
    %dma_wait3A_154 = tpu.memref_slice %arg8[%dma_wait3A_153] : memref<512xi32, #tpu.memory_space<vmem>> -> memref<128xi32, #tpu.memory_space<vmem>>
    %dma_wait3A_155 = arith.constant 0 : i32
    %dma_wait3A_156 = arith.constant 0 : i32
    %dma_wait3A_157 = tpu.memref_slice %arg5[%dma_wait3A_155, %dma_wait3A_156] : memref<100000x128xf32, #tpu.memory_space<hbm>> -> memref<100000x128xf32, #tpu.memory_space<hbm>>
    tpu.wait_indirect_dma semaphore(%arg14 : memref<!tpu.dma_semaphore, #tpu.memory_space<semaphore_mem>>) src(%dma_wait3A_157 : memref<100000x128xf32, #tpu.memory_space<hbm>>) dst(%dma_wait3A_152 : memref<128x128xf32, #tpu.memory_space<vmem>>)
    %dma_wait3A_158 = arith.constant 0 : i32
    %dma_wait3A_159 = arith.constant 0 : i32
    %dma_wait3A_160 = arith.constant 0 : i32
    %dma_wait3A_161 = tpu.memref_slice %arg12[%dma_wait3A_158, %dma_wait3A_159, %dma_wait3A_160] : memref<2x128x128xf32, #tpu.memory_space<vmem>> -> memref<1x128x128xf32, #tpu.memory_space<vmem>>
    %dma_wait3A_162 = tpu.memref_squeeze %dma_wait3A_161 : memref<1x128x128xf32, #tpu.memory_space<vmem>> -> memref<128x128xf32, #tpu.memory_space<vmem>>
    %dma_wait3A_163 = arith.constant 256 : i32
    %dma_wait3A_164 = tpu.memref_slice %arg9[%dma_wait3A_163] : memref<512xi32, #tpu.memory_space<vmem>> -> memref<128xi32, #tpu.memory_space<vmem>>
    %dma_wait3A_165 = arith.constant 0 : i32
    %dma_wait3A_166 = arith.constant 0 : i32
    %dma_wait3A_167 = tpu.memref_slice %arg6[%dma_wait3A_165, %dma_wait3A_166] : memref<100000x128xf32, #tpu.memory_space<hbm>> -> memref<100000x128xf32, #tpu.memory_space<hbm>>
    tpu.wait_indirect_dma semaphore(%arg14 : memref<!tpu.dma_semaphore, #tpu.memory_space<semaphore_mem>>) src(%dma_wait3A_167 : memref<100000x128xf32, #tpu.memory_space<hbm>>) dst(%dma_wait3A_162 : memref<128x128xf32, #tpu.memory_space<vmem>>)
    %parallel_loop3A_168 = arith.constant 0 : i32
    %parallel_loop3A_169 = arith.constant 128 : i32
    %parallel_loop3A_170 = arith.constant 1 : i32
    %parallel_loop3A_171 = arith.constant 0 : i32
    %parallel_loop3A_172 = arith.constant 0 : i32
    %parallel_loop3A_173 = arith.constant 0.000000e+00 : f32
    %parallel_loop3A_174 = scf.for %parallel_loop3A_221 = %parallel_loop3A_168 to %parallel_loop3A_169 step %parallel_loop3A_170 iter_args(%parallel_loop3A_222 = %parallel_loop3A_173) -> (f32)  : i32 {
      %parallel_loop3A_223 = arith.constant 0.000000e+00 : f32
      %parallel_loop3A_224 = vector.broadcast %parallel_loop3A_223 : f32 to vector<16xf32>
      %parallel_loop3A_225 = arith.constant 0.000000e+00 : f32
      %parallel_loop3A_226 = vector.broadcast %parallel_loop3A_225 : f32 to vector<16xf32>
      %parallel_loop3A_227 = arith.constant 0 : i32
      %parallel_loop3A_228 = arith.constant 0 : i32
      %parallel_loop3A_229 = tpu.memref_slice %arg11[%parallel_loop3A_171, %parallel_loop3A_227, %parallel_loop3A_228] : memref<2x128x128xf32, #tpu.memory_space<vmem>> -> memref<1x128x128xf32, #tpu.memory_space<vmem>>
      %parallel_loop3A_230 = tpu.memref_squeeze %parallel_loop3A_229 : memref<1x128x128xf32, #tpu.memory_space<vmem>> -> memref<128x128xf32, #tpu.memory_space<vmem>>
      %parallel_loop3A_231 = arith.index_cast %parallel_loop3A_221 : i32 to index
      %parallel_loop3A_232 = arith.constant 0 : index
      %parallel_loop3A_233 = tpu.vector_load %parallel_loop3A_230[%parallel_loop3A_231, %parallel_loop3A_232] {strides = array<i32>} : memref<128x128xf32, #tpu.memory_space<vmem>>, vector<16xf32>,
      %parallel_loop3A_234 = arith.constant 0 : i32
      %parallel_loop3A_235 = arith.constant 0 : i32
      %parallel_loop3A_236 = tpu.memref_slice %arg12[%parallel_loop3A_172, %parallel_loop3A_234, %parallel_loop3A_235] : memref<2x128x128xf32, #tpu.memory_space<vmem>> -> memref<1x128x128xf32, #tpu.memory_space<vmem>>
      %parallel_loop3A_237 = tpu.memref_squeeze %parallel_loop3A_236 : memref<1x128x128xf32, #tpu.memory_space<vmem>> -> memref<128x128xf32, #tpu.memory_space<vmem>>
      %parallel_loop3A_238 = arith.index_cast %parallel_loop3A_221 : i32 to index
      %parallel_loop3A_239 = arith.constant 0 : index
      %parallel_loop3A_240 = tpu.vector_load %parallel_loop3A_237[%parallel_loop3A_238, %parallel_loop3A_239] {strides = array<i32>} : memref<128x128xf32, #tpu.memory_space<vmem>>, vector<16xf32>,
      %parallel_loop3A_241 = arith.mulf %parallel_loop3A_233, %parallel_loop3A_240 : vector<16xf32>
      %parallel_loop3A_242 = arith.addf %parallel_loop3A_224, %parallel_loop3A_241 : vector<16xf32>
      %parallel_loop3A_243 = arith.constant 0 : i32
      %parallel_loop3A_244 = arith.constant 0 : i32
      %parallel_loop3A_245 = tpu.memref_slice %arg11[%parallel_loop3A_171, %parallel_loop3A_243, %parallel_loop3A_244] : memref<2x128x128xf32, #tpu.memory_space<vmem>> -> memref<1x128x128xf32, #tpu.memory_space<vmem>>
      %parallel_loop3A_246 = tpu.memref_squeeze %parallel_loop3A_245 : memref<1x128x128xf32, #tpu.memory_space<vmem>> -> memref<128x128xf32, #tpu.memory_space<vmem>>
      %parallel_loop3A_247 = arith.index_cast %parallel_loop3A_221 : i32 to index
      %parallel_loop3A_248 = arith.constant 16 : index
      %parallel_loop3A_249 = tpu.vector_load %parallel_loop3A_246[%parallel_loop3A_247, %parallel_loop3A_248] {strides = array<i32>} : memref<128x128xf32, #tpu.memory_space<vmem>>, vector<16xf32>,
      %parallel_loop3A_250 = arith.constant 0 : i32
      %parallel_loop3A_251 = arith.constant 0 : i32
      %parallel_loop3A_252 = tpu.memref_slice %arg12[%parallel_loop3A_172, %parallel_loop3A_250, %parallel_loop3A_251] : memref<2x128x128xf32, #tpu.memory_space<vmem>> -> memref<1x128x128xf32, #tpu.memory_space<vmem>>
      %parallel_loop3A_253 = tpu.memref_squeeze %parallel_loop3A_252 : memref<1x128x128xf32, #tpu.memory_space<vmem>> -> memref<128x128xf32, #tpu.memory_space<vmem>>
      %parallel_loop3A_254 = arith.index_cast %parallel_loop3A_221 : i32 to index
      %parallel_loop3A_255 = arith.constant 16 : index
      %parallel_loop3A_256 = tpu.vector_load %parallel_loop3A_253[%parallel_loop3A_254, %parallel_loop3A_255] {strides = array<i32>} : memref<128x128xf32, #tpu.memory_space<vmem>>, vector<16xf32>,
      %parallel_loop3A_257 = arith.mulf %parallel_loop3A_249, %parallel_loop3A_256 : vector<16xf32>
      %parallel_loop3A_258 = arith.addf %parallel_loop3A_226, %parallel_loop3A_257 : vector<16xf32>
      %parallel_loop3A_259 = arith.constant 0 : i32
      %parallel_loop3A_260 = arith.constant 0 : i32
      %parallel_loop3A_261 = tpu.memref_slice %arg11[%parallel_loop3A_171, %parallel_loop3A_259, %parallel_loop3A_260] : memref<2x128x128xf32, #tpu.memory_space<vmem>> -> memref<1x128x128xf32, #tpu.memory_space<vmem>>
      %parallel_loop3A_262 = tpu.memref_squeeze %parallel_loop3A_261 : memref<1x128x128xf32, #tpu.memory_space<vmem>> -> memref<128x128xf32, #tpu.memory_space<vmem>>
      %parallel_loop3A_263 = arith.index_cast %parallel_loop3A_221 : i32 to index
      %parallel_loop3A_264 = arith.constant 32 : index
      %parallel_loop3A_265 = tpu.vector_load %parallel_loop3A_262[%parallel_loop3A_263, %parallel_loop3A_264] {strides = array<i32>} : memref<128x128xf32, #tpu.memory_space<vmem>>, vector<16xf32>,
      %parallel_loop3A_266 = arith.constant 0 : i32
      %parallel_loop3A_267 = arith.constant 0 : i32
      %parallel_loop3A_268 = tpu.memref_slice %arg12[%parallel_loop3A_172, %parallel_loop3A_266, %parallel_loop3A_267] : memref<2x128x128xf32, #tpu.memory_space<vmem>> -> memref<1x128x128xf32, #tpu.memory_space<vmem>>
      %parallel_loop3A_269 = tpu.memref_squeeze %parallel_loop3A_268 : memref<1x128x128xf32, #tpu.memory_space<vmem>> -> memref<128x128xf32, #tpu.memory_space<vmem>>
      %parallel_loop3A_270 = arith.index_cast %parallel_loop3A_221 : i32 to index
      %parallel_loop3A_271 = arith.constant 32 : index
      %parallel_loop3A_272 = tpu.vector_load %parallel_loop3A_269[%parallel_loop3A_270, %parallel_loop3A_271] {strides = array<i32>} : memref<128x128xf32, #tpu.memory_space<vmem>>, vector<16xf32>,
      %parallel_loop3A_273 = arith.mulf %parallel_loop3A_265, %parallel_loop3A_272 : vector<16xf32>
      %parallel_loop3A_274 = arith.addf %parallel_loop3A_242, %parallel_loop3A_273 : vector<16xf32>
      %parallel_loop3A_275 = arith.constant 0 : i32
      %parallel_loop3A_276 = arith.constant 0 : i32
      %parallel_loop3A_277 = tpu.memref_slice %arg11[%parallel_loop3A_171, %parallel_loop3A_275, %parallel_loop3A_276] : memref<2x128x128xf32, #tpu.memory_space<vmem>> -> memref<1x128x128xf32, #tpu.memory_space<vmem>>
      %parallel_loop3A_278 = tpu.memref_squeeze %parallel_loop3A_277 : memref<1x128x128xf32, #tpu.memory_space<vmem>> -> memref<128x128xf32, #tpu.memory_space<vmem>>
      %parallel_loop3A_279 = arith.index_cast %parallel_loop3A_221 : i32 to index
      %parallel_loop3A_280 = arith.constant 48 : index
      %parallel_loop3A_281 = tpu.vector_load %parallel_loop3A_278[%parallel_loop3A_279, %parallel_loop3A_280] {strides = array<i32>} : memref<128x128xf32, #tpu.memory_space<vmem>>, vector<16xf32>,
      %parallel_loop3A_282 = arith.constant 0 : i32
      %parallel_loop3A_283 = arith.constant 0 : i32
      %parallel_loop3A_284 = tpu.memref_slice %arg12[%parallel_loop3A_172, %parallel_loop3A_282, %parallel_loop3A_283] : memref<2x128x128xf32, #tpu.memory_space<vmem>> -> memref<1x128x128xf32, #tpu.memory_space<vmem>>
      %parallel_loop3A_285 = tpu.memref_squeeze %parallel_loop3A_284 : memref<1x128x128xf32, #tpu.memory_space<vmem>> -> memref<128x128xf32, #tpu.memory_space<vmem>>
      %parallel_loop3A_286 = arith.index_cast %parallel_loop3A_221 : i32 to index
      %parallel_loop3A_287 = arith.constant 48 : index
      %parallel_loop3A_288 = tpu.vector_load %parallel_loop3A_285[%parallel_loop3A_286, %parallel_loop3A_287] {strides = array<i32>} : memref<128x128xf32, #tpu.memory_space<vmem>>, vector<16xf32>,
      %parallel_loop3A_289 = arith.mulf %parallel_loop3A_281, %parallel_loop3A_288 : vector<16xf32>
      %parallel_loop3A_290 = arith.addf %parallel_loop3A_258, %parallel_loop3A_289 : vector<16xf32>
      %parallel_loop3A_291 = arith.constant 0 : i32
      %parallel_loop3A_292 = arith.constant 0 : i32
      %parallel_loop3A_293 = tpu.memref_slice %arg11[%parallel_loop3A_171, %parallel_loop3A_291, %parallel_loop3A_292] : memref<2x128x128xf32, #tpu.memory_space<vmem>> -> memref<1x128x128xf32, #tpu.memory_space<vmem>>
      %parallel_loop3A_294 = tpu.memref_squeeze %parallel_loop3A_293 : memref<1x128x128xf32, #tpu.memory_space<vmem>> -> memref<128x128xf32, #tpu.memory_space<vmem>>
      %parallel_loop3A_295 = arith.index_cast %parallel_loop3A_221 : i32 to index
      %parallel_loop3A_296 = arith.constant 64 : index
      %parallel_loop3A_297 = tpu.vector_load %parallel_loop3A_294[%parallel_loop3A_295, %parallel_loop3A_296] {strides = array<i32>} : memref<128x128xf32, #tpu.memory_space<vmem>>, vector<16xf32>,
      %parallel_loop3A_298 = arith.constant 0 : i32
      %parallel_loop3A_299 = arith.constant 0 : i32
      %parallel_loop3A_300 = tpu.memref_slice %arg12[%parallel_loop3A_172, %parallel_loop3A_298, %parallel_loop3A_299] : memref<2x128x128xf32, #tpu.memory_space<vmem>> -> memref<1x128x128xf32, #tpu.memory_space<vmem>>
      %parallel_loop3A_301 = tpu.memref_squeeze %parallel_loop3A_300 : memref<1x128x128xf32, #tpu.memory_space<vmem>> -> memref<128x128xf32, #tpu.memory_space<vmem>>
      %parallel_loop3A_302 = arith.index_cast %parallel_loop3A_221 : i32 to index
      %parallel_loop3A_303 = arith.constant 64 : index
      %parallel_loop3A_304 = tpu.vector_load %parallel_loop3A_301[%parallel_loop3A_302, %parallel_loop3A_303] {strides = array<i32>} : memref<128x128xf32, #tpu.memory_space<vmem>>, vector<16xf32>,
      %parallel_loop3A_305 = arith.mulf %parallel_loop3A_297, %parallel_loop3A_304 : vector<16xf32>
      %parallel_loop3A_306 = arith.addf %parallel_loop3A_274, %parallel_loop3A_305 : vector<16xf32>
      %parallel_loop3A_307 = arith.constant 0 : i32
      %parallel_loop3A_308 = arith.constant 0 : i32
      %parallel_loop3A_309 = tpu.memref_slice %arg11[%parallel_loop3A_171, %parallel_loop3A_307, %parallel_loop3A_308] : memref<2x128x128xf32, #tpu.memory_space<vmem>> -> memref<1x128x128xf32, #tpu.memory_space<vmem>>
      %parallel_loop3A_310 = tpu.memref_squeeze %parallel_loop3A_309 : memref<1x128x128xf32, #tpu.memory_space<vmem>> -> memref<128x128xf32, #tpu.memory_space<vmem>>
      %parallel_loop3A_311 = arith.index_cast %parallel_loop3A_221 : i32 to index
      %parallel_loop3A_312 = arith.constant 80 : index
      %parallel_loop3A_313 = tpu.vector_load %parallel_loop3A_310[%parallel_loop3A_311, %parallel_loop3A_312] {strides = array<i32>} : memref<128x128xf32, #tpu.memory_space<vmem>>, vector<16xf32>,
      %parallel_loop3A_314 = arith.constant 0 : i32
      %parallel_loop3A_315 = arith.constant 0 : i32
      %parallel_loop3A_316 = tpu.memref_slice %arg12[%parallel_loop3A_172, %parallel_loop3A_314, %parallel_loop3A_315] : memref<2x128x128xf32, #tpu.memory_space<vmem>> -> memref<1x128x128xf32, #tpu.memory_space<vmem>>
      %parallel_loop3A_317 = tpu.memref_squeeze %parallel_loop3A_316 : memref<1x128x128xf32, #tpu.memory_space<vmem>> -> memref<128x128xf32, #tpu.memory_space<vmem>>
      %parallel_loop3A_318 = arith.index_cast %parallel_loop3A_221 : i32 to index
      %parallel_loop3A_319 = arith.constant 80 : index
      %parallel_loop3A_320 = tpu.vector_load %parallel_loop3A_317[%parallel_loop3A_318, %parallel_loop3A_319] {strides = array<i32>} : memref<128x128xf32, #tpu.memory_space<vmem>>, vector<16xf32>,
      %parallel_loop3A_321 = arith.mulf %parallel_loop3A_313, %parallel_loop3A_320 : vector<16xf32>
      %parallel_loop3A_322 = arith.addf %parallel_loop3A_290, %parallel_loop3A_321 : vector<16xf32>
      %parallel_loop3A_323 = arith.constant 0 : i32
      %parallel_loop3A_324 = arith.constant 0 : i32
      %parallel_loop3A_325 = tpu.memref_slice %arg11[%parallel_loop3A_171, %parallel_loop3A_323, %parallel_loop3A_324] : memref<2x128x128xf32, #tpu.memory_space<vmem>> -> memref<1x128x128xf32, #tpu.memory_space<vmem>>
      %parallel_loop3A_326 = tpu.memref_squeeze %parallel_loop3A_325 : memref<1x128x128xf32, #tpu.memory_space<vmem>> -> memref<128x128xf32, #tpu.memory_space<vmem>>
      %parallel_loop3A_327 = arith.index_cast %parallel_loop3A_221 : i32 to index
      %parallel_loop3A_328 = arith.constant 96 : index
      %parallel_loop3A_329 = tpu.vector_load %parallel_loop3A_326[%parallel_loop3A_327, %parallel_loop3A_328] {strides = array<i32>} : memref<128x128xf32, #tpu.memory_space<vmem>>, vector<16xf32>,
      %parallel_loop3A_330 = arith.constant 0 : i32
      %parallel_loop3A_331 = arith.constant 0 : i32
      %parallel_loop3A_332 = tpu.memref_slice %arg12[%parallel_loop3A_172, %parallel_loop3A_330, %parallel_loop3A_331] : memref<2x128x128xf32, #tpu.memory_space<vmem>> -> memref<1x128x128xf32, #tpu.memory_space<vmem>>
      %parallel_loop3A_333 = tpu.memref_squeeze %parallel_loop3A_332 : memref<1x128x128xf32, #tpu.memory_space<vmem>> -> memref<128x128xf32, #tpu.memory_space<vmem>>
      %parallel_loop3A_334 = arith.index_cast %parallel_loop3A_221 : i32 to index
      %parallel_loop3A_335 = arith.constant 96 : index
      %parallel_loop3A_336 = tpu.vector_load %parallel_loop3A_333[%parallel_loop3A_334, %parallel_loop3A_335] {strides = array<i32>} : memref<128x128xf32, #tpu.memory_space<vmem>>, vector<16xf32>,
      %parallel_loop3A_337 = arith.mulf %parallel_loop3A_329, %parallel_loop3A_336 : vector<16xf32>
      %parallel_loop3A_338 = arith.addf %parallel_loop3A_306, %parallel_loop3A_337 : vector<16xf32>
      %parallel_loop3A_339 = arith.constant 0 : i32
      %parallel_loop3A_340 = arith.constant 0 : i32
      %parallel_loop3A_341 = tpu.memref_slice %arg11[%parallel_loop3A_171, %parallel_loop3A_339, %parallel_loop3A_340] : memref<2x128x128xf32, #tpu.memory_space<vmem>> -> memref<1x128x128xf32, #tpu.memory_space<vmem>>
      %parallel_loop3A_342 = tpu.memref_squeeze %parallel_loop3A_341 : memref<1x128x128xf32, #tpu.memory_space<vmem>> -> memref<128x128xf32, #tpu.memory_space<vmem>>
      %parallel_loop3A_343 = arith.index_cast %parallel_loop3A_221 : i32 to index
      %parallel_loop3A_344 = arith.constant 112 : index
      %parallel_loop3A_345 = tpu.vector_load %parallel_loop3A_342[%parallel_loop3A_343, %parallel_loop3A_344] {strides = array<i32>} : memref<128x128xf32, #tpu.memory_space<vmem>>, vector<16xf32>,
      %parallel_loop3A_346 = arith.constant 0 : i32
      %parallel_loop3A_347 = arith.constant 0 : i32
      %parallel_loop3A_348 = tpu.memref_slice %arg12[%parallel_loop3A_172, %parallel_loop3A_346, %parallel_loop3A_347] : memref<2x128x128xf32, #tpu.memory_space<vmem>> -> memref<1x128x128xf32, #tpu.memory_space<vmem>>
      %parallel_loop3A_349 = tpu.memref_squeeze %parallel_loop3A_348 : memref<1x128x128xf32, #tpu.memory_space<vmem>> -> memref<128x128xf32, #tpu.memory_space<vmem>>
      %parallel_loop3A_350 = arith.index_cast %parallel_loop3A_221 : i32 to index
      %parallel_loop3A_351 = arith.constant 112 : index
      %parallel_loop3A_352 = tpu.vector_load %parallel_loop3A_349[%parallel_loop3A_350, %parallel_loop3A_351] {strides = array<i32>} : memref<128x128xf32, #tpu.memory_space<vmem>>, vector<16xf32>,
      %parallel_loop3A_353 = arith.mulf %parallel_loop3A_345, %parallel_loop3A_352 : vector<16xf32>
      %parallel_loop3A_354 = arith.addf %parallel_loop3A_322, %parallel_loop3A_353 : vector<16xf32>
      %parallel_loop3A_355 = arith.addf %parallel_loop3A_338, %parallel_loop3A_354 : vector<16xf32>
      %parallel_loop3A_356 = arith.constant true
      %parallel_loop3A_357 = vector.broadcast %parallel_loop3A_356 : i1 to vector<16xi1>
      %parallel_loop3A_358 = tpu.scan <sum>, %parallel_loop3A_355 masked %parallel_loop3A_357 : vector<16xf32>, vector<16xi1> -> vector<16xf32>
      %parallel_loop3A_359 = vector.extract %parallel_loop3A_358[15] : f32 from vector<16xf32>
      %parallel_loop3A_360 = arith.constant 256 : i32
      %parallel_loop3A_361 = arith.addi %parallel_loop3A_360, %parallel_loop3A_221 : i32
      %parallel_loop3A_362 = arith.index_cast %parallel_loop3A_361 : i32 to index
      %parallel_loop3A_363 = tpu.vector_load %arg10[%parallel_loop3A_362] {strides = array<i32>} : memref<528xf32, #tpu.memory_space<vmem>>, vector<16xf32>,
      %parallel_loop3A_364 = vector.extract_strided_slice %parallel_loop3A_363 {offsets = [0], sizes = [1], strides = [1]} : vector<16xf32> to vector<1xf32>
      %parallel_loop3A_365 = vector.extract %parallel_loop3A_364[0] : f32 from vector<1xf32>
      %parallel_loop3A_366 = arith.subf %parallel_loop3A_359, %parallel_loop3A_365 : f32
      %parallel_loop3A_367 = arith.mulf %parallel_loop3A_366, %parallel_loop3A_366 : f32
      %parallel_loop3A_368 = arith.addf %parallel_loop3A_222, %parallel_loop3A_367 : f32
      scf.yield %parallel_loop3A_368 : f32
    } {sc.loop_unroll_factor = 4 : i64, sc.parallel_access}
    %eq3A_175 = arith.constant 0 : i32
    %eq3A_176 = vector.broadcast %eq3A_175 : i32 to vector<16xi32>
    %eq3A_177 = arith.cmpi eq, %iota3A, %eq3A_176 : vector<16xi32>
    %jit3A_178 = arith.constant 0.000000e+00 : f32
    %broadcast_in_dim3A_179 = vector.broadcast %parallel_loop3A_174 : f32 to vector<16xf32>
    %broadcast_in_dim3A_180 = vector.broadcast %jit3A_178 : f32 to vector<16xf32>
    %select_n3A_181 = arith.select %eq3A_177, %broadcast_in_dim3A_179, %broadcast_in_dim3A_180 : vector<16xi1>, vector<16xf32>
    %add3A_182 = arith.addf %add3A_127, %select_n3A_181 : vector<16xf32>
    %dma_wait3A_183 = arith.constant 1 : i32
    %dma_wait3A_184 = arith.constant 0 : i32
    %dma_wait3A_185 = arith.constant 0 : i32
    %dma_wait3A_186 = tpu.memref_slice %arg11[%dma_wait3A_183, %dma_wait3A_184, %dma_wait3A_185] : memref<2x128x128xf32, #tpu.memory_space<vmem>> -> memref<1x128x128xf32, #tpu.memory_space<vmem>>
    %dma_wait3A_187 = tpu.memref_squeeze %dma_wait3A_186 : memref<1x128x128xf32, #tpu.memory_space<vmem>> -> memref<128x128xf32, #tpu.memory_space<vmem>>
    %dma_wait3A_188 = arith.constant 384 : i32
    %dma_wait3A_189 = tpu.memref_slice %arg8[%dma_wait3A_188] : memref<512xi32, #tpu.memory_space<vmem>> -> memref<128xi32, #tpu.memory_space<vmem>>
    %dma_wait3A_190 = arith.constant 0 : i32
    %dma_wait3A_191 = arith.constant 0 : i32
    %dma_wait3A_192 = tpu.memref_slice %arg5[%dma_wait3A_190, %dma_wait3A_191] : memref<100000x128xf32, #tpu.memory_space<hbm>> -> memref<100000x128xf32, #tpu.memory_space<hbm>>
    tpu.wait_indirect_dma semaphore(%arg15 : memref<!tpu.dma_semaphore, #tpu.memory_space<semaphore_mem>>) src(%dma_wait3A_192 : memref<100000x128xf32, #tpu.memory_space<hbm>>) dst(%dma_wait3A_187 : memref<128x128xf32, #tpu.memory_space<vmem>>)
    %dma_wait3A_193 = arith.constant 1 : i32
    %dma_wait3A_194 = arith.constant 0 : i32
    %dma_wait3A_195 = arith.constant 0 : i32
    %dma_wait3A_196 = tpu.memref_slice %arg12[%dma_wait3A_193, %dma_wait3A_194, %dma_wait3A_195] : memref<2x128x128xf32, #tpu.memory_space<vmem>> -> memref<1x128x128xf32, #tpu.memory_space<vmem>>
    %dma_wait3A_197 = tpu.memref_squeeze %dma_wait3A_196 : memref<1x128x128xf32, #tpu.memory_space<vmem>> -> memref<128x128xf32, #tpu.memory_space<vmem>>
    %dma_wait3A_198 = arith.constant 384 : i32
    %dma_wait3A_199 = tpu.memref_slice %arg9[%dma_wait3A_198] : memref<512xi32, #tpu.memory_space<vmem>> -> memref<128xi32, #tpu.memory_space<vmem>>
    %dma_wait3A_200 = arith.constant 0 : i32
    %dma_wait3A_201 = arith.constant 0 : i32
    %dma_wait3A_202 = tpu.memref_slice %arg6[%dma_wait3A_200, %dma_wait3A_201] : memref<100000x128xf32, #tpu.memory_space<hbm>> -> memref<100000x128xf32, #tpu.memory_space<hbm>>
    tpu.wait_indirect_dma semaphore(%arg15 : memref<!tpu.dma_semaphore, #tpu.memory_space<semaphore_mem>>) src(%dma_wait3A_202 : memref<100000x128xf32, #tpu.memory_space<hbm>>) dst(%dma_wait3A_197 : memref<128x128xf32, #tpu.memory_space<vmem>>)
    %parallel_loop3A_203 = arith.constant 0 : i32
    %parallel_loop3A_204 = arith.constant 128 : i32
    %parallel_loop3A_205 = arith.constant 1 : i32
    %parallel_loop3A_206 = arith.constant 1 : i32
    %parallel_loop3A_207 = arith.constant 1 : i32
    %parallel_loop3A_208 = arith.constant 0.000000e+00 : f32
    %parallel_loop3A_209 = scf.for %parallel_loop3A_221 = %parallel_loop3A_203 to %parallel_loop3A_204 step %parallel_loop3A_205 iter_args(%parallel_loop3A_222 = %parallel_loop3A_208) -> (f32)  : i32 {
      %parallel_loop3A_223 = arith.constant 0.000000e+00 : f32
      %parallel_loop3A_224 = vector.broadcast %parallel_loop3A_223 : f32 to vector<16xf32>
      %parallel_loop3A_225 = arith.constant 0.000000e+00 : f32
      %parallel_loop3A_226 = vector.broadcast %parallel_loop3A_225 : f32 to vector<16xf32>
      %parallel_loop3A_227 = arith.constant 0 : i32
      %parallel_loop3A_228 = arith.constant 0 : i32
      %parallel_loop3A_229 = tpu.memref_slice %arg11[%parallel_loop3A_206, %parallel_loop3A_227, %parallel_loop3A_228] : memref<2x128x128xf32, #tpu.memory_space<vmem>> -> memref<1x128x128xf32, #tpu.memory_space<vmem>>
      %parallel_loop3A_230 = tpu.memref_squeeze %parallel_loop3A_229 : memref<1x128x128xf32, #tpu.memory_space<vmem>> -> memref<128x128xf32, #tpu.memory_space<vmem>>
      %parallel_loop3A_231 = arith.index_cast %parallel_loop3A_221 : i32 to index
      %parallel_loop3A_232 = arith.constant 0 : index
      %parallel_loop3A_233 = tpu.vector_load %parallel_loop3A_230[%parallel_loop3A_231, %parallel_loop3A_232] {strides = array<i32>} : memref<128x128xf32, #tpu.memory_space<vmem>>, vector<16xf32>,
      %parallel_loop3A_234 = arith.constant 0 : i32
      %parallel_loop3A_235 = arith.constant 0 : i32
      %parallel_loop3A_236 = tpu.memref_slice %arg12[%parallel_loop3A_207, %parallel_loop3A_234, %parallel_loop3A_235] : memref<2x128x128xf32, #tpu.memory_space<vmem>> -> memref<1x128x128xf32, #tpu.memory_space<vmem>>
      %parallel_loop3A_237 = tpu.memref_squeeze %parallel_loop3A_236 : memref<1x128x128xf32, #tpu.memory_space<vmem>> -> memref<128x128xf32, #tpu.memory_space<vmem>>
      %parallel_loop3A_238 = arith.index_cast %parallel_loop3A_221 : i32 to index
      %parallel_loop3A_239 = arith.constant 0 : index
      %parallel_loop3A_240 = tpu.vector_load %parallel_loop3A_237[%parallel_loop3A_238, %parallel_loop3A_239] {strides = array<i32>} : memref<128x128xf32, #tpu.memory_space<vmem>>, vector<16xf32>,
      %parallel_loop3A_241 = arith.mulf %parallel_loop3A_233, %parallel_loop3A_240 : vector<16xf32>
      %parallel_loop3A_242 = arith.addf %parallel_loop3A_224, %parallel_loop3A_241 : vector<16xf32>
      %parallel_loop3A_243 = arith.constant 0 : i32
      %parallel_loop3A_244 = arith.constant 0 : i32
      %parallel_loop3A_245 = tpu.memref_slice %arg11[%parallel_loop3A_206, %parallel_loop3A_243, %parallel_loop3A_244] : memref<2x128x128xf32, #tpu.memory_space<vmem>> -> memref<1x128x128xf32, #tpu.memory_space<vmem>>
      %parallel_loop3A_246 = tpu.memref_squeeze %parallel_loop3A_245 : memref<1x128x128xf32, #tpu.memory_space<vmem>> -> memref<128x128xf32, #tpu.memory_space<vmem>>
      %parallel_loop3A_247 = arith.index_cast %parallel_loop3A_221 : i32 to index
      %parallel_loop3A_248 = arith.constant 16 : index
      %parallel_loop3A_249 = tpu.vector_load %parallel_loop3A_246[%parallel_loop3A_247, %parallel_loop3A_248] {strides = array<i32>} : memref<128x128xf32, #tpu.memory_space<vmem>>, vector<16xf32>,
      %parallel_loop3A_250 = arith.constant 0 : i32
      %parallel_loop3A_251 = arith.constant 0 : i32
      %parallel_loop3A_252 = tpu.memref_slice %arg12[%parallel_loop3A_207, %parallel_loop3A_250, %parallel_loop3A_251] : memref<2x128x128xf32, #tpu.memory_space<vmem>> -> memref<1x128x128xf32, #tpu.memory_space<vmem>>
      %parallel_loop3A_253 = tpu.memref_squeeze %parallel_loop3A_252 : memref<1x128x128xf32, #tpu.memory_space<vmem>> -> memref<128x128xf32, #tpu.memory_space<vmem>>
      %parallel_loop3A_254 = arith.index_cast %parallel_loop3A_221 : i32 to index
      %parallel_loop3A_255 = arith.constant 16 : index
      %parallel_loop3A_256 = tpu.vector_load %parallel_loop3A_253[%parallel_loop3A_254, %parallel_loop3A_255] {strides = array<i32>} : memref<128x128xf32, #tpu.memory_space<vmem>>, vector<16xf32>,
      %parallel_loop3A_257 = arith.mulf %parallel_loop3A_249, %parallel_loop3A_256 : vector<16xf32>
      %parallel_loop3A_258 = arith.addf %parallel_loop3A_226, %parallel_loop3A_257 : vector<16xf32>
      %parallel_loop3A_259 = arith.constant 0 : i32
      %parallel_loop3A_260 = arith.constant 0 : i32
      %parallel_loop3A_261 = tpu.memref_slice %arg11[%parallel_loop3A_206, %parallel_loop3A_259, %parallel_loop3A_260] : memref<2x128x128xf32, #tpu.memory_space<vmem>> -> memref<1x128x128xf32, #tpu.memory_space<vmem>>
      %parallel_loop3A_262 = tpu.memref_squeeze %parallel_loop3A_261 : memref<1x128x128xf32, #tpu.memory_space<vmem>> -> memref<128x128xf32, #tpu.memory_space<vmem>>
      %parallel_loop3A_263 = arith.index_cast %parallel_loop3A_221 : i32 to index
      %parallel_loop3A_264 = arith.constant 32 : index
      %parallel_loop3A_265 = tpu.vector_load %parallel_loop3A_262[%parallel_loop3A_263, %parallel_loop3A_264] {strides = array<i32>} : memref<128x128xf32, #tpu.memory_space<vmem>>, vector<16xf32>,
      %parallel_loop3A_266 = arith.constant 0 : i32
      %parallel_loop3A_267 = arith.constant 0 : i32
      %parallel_loop3A_268 = tpu.memref_slice %arg12[%parallel_loop3A_207, %parallel_loop3A_266, %parallel_loop3A_267] : memref<2x128x128xf32, #tpu.memory_space<vmem>> -> memref<1x128x128xf32, #tpu.memory_space<vmem>>
      %parallel_loop3A_269 = tpu.memref_squeeze %parallel_loop3A_268 : memref<1x128x128xf32, #tpu.memory_space<vmem>> -> memref<128x128xf32, #tpu.memory_space<vmem>>
      %parallel_loop3A_270 = arith.index_cast %parallel_loop3A_221 : i32 to index
      %parallel_loop3A_271 = arith.constant 32 : index
      %parallel_loop3A_272 = tpu.vector_load %parallel_loop3A_269[%parallel_loop3A_270, %parallel_loop3A_271] {strides = array<i32>} : memref<128x128xf32, #tpu.memory_space<vmem>>, vector<16xf32>,
      %parallel_loop3A_273 = arith.mulf %parallel_loop3A_265, %parallel_loop3A_272 : vector<16xf32>
      %parallel_loop3A_274 = arith.addf %parallel_loop3A_242, %parallel_loop3A_273 : vector<16xf32>
      %parallel_loop3A_275 = arith.constant 0 : i32
      %parallel_loop3A_276 = arith.constant 0 : i32
      %parallel_loop3A_277 = tpu.memref_slice %arg11[%parallel_loop3A_206, %parallel_loop3A_275, %parallel_loop3A_276] : memref<2x128x128xf32, #tpu.memory_space<vmem>> -> memref<1x128x128xf32, #tpu.memory_space<vmem>>
      %parallel_loop3A_278 = tpu.memref_squeeze %parallel_loop3A_277 : memref<1x128x128xf32, #tpu.memory_space<vmem>> -> memref<128x128xf32, #tpu.memory_space<vmem>>
      %parallel_loop3A_279 = arith.index_cast %parallel_loop3A_221 : i32 to index
      %parallel_loop3A_280 = arith.constant 48 : index
      %parallel_loop3A_281 = tpu.vector_load %parallel_loop3A_278[%parallel_loop3A_279, %parallel_loop3A_280] {strides = array<i32>} : memref<128x128xf32, #tpu.memory_space<vmem>>, vector<16xf32>,
      %parallel_loop3A_282 = arith.constant 0 : i32
      %parallel_loop3A_283 = arith.constant 0 : i32
      %parallel_loop3A_284 = tpu.memref_slice %arg12[%parallel_loop3A_207, %parallel_loop3A_282, %parallel_loop3A_283] : memref<2x128x128xf32, #tpu.memory_space<vmem>> -> memref<1x128x128xf32, #tpu.memory_space<vmem>>
      %parallel_loop3A_285 = tpu.memref_squeeze %parallel_loop3A_284 : memref<1x128x128xf32, #tpu.memory_space<vmem>> -> memref<128x128xf32, #tpu.memory_space<vmem>>
      %parallel_loop3A_286 = arith.index_cast %parallel_loop3A_221 : i32 to index
      %parallel_loop3A_287 = arith.constant 48 : index
      %parallel_loop3A_288 = tpu.vector_load %parallel_loop3A_285[%parallel_loop3A_286, %parallel_loop3A_287] {strides = array<i32>} : memref<128x128xf32, #tpu.memory_space<vmem>>, vector<16xf32>,
      %parallel_loop3A_289 = arith.mulf %parallel_loop3A_281, %parallel_loop3A_288 : vector<16xf32>
      %parallel_loop3A_290 = arith.addf %parallel_loop3A_258, %parallel_loop3A_289 : vector<16xf32>
      %parallel_loop3A_291 = arith.constant 0 : i32
      %parallel_loop3A_292 = arith.constant 0 : i32
      %parallel_loop3A_293 = tpu.memref_slice %arg11[%parallel_loop3A_206, %parallel_loop3A_291, %parallel_loop3A_292] : memref<2x128x128xf32, #tpu.memory_space<vmem>> -> memref<1x128x128xf32, #tpu.memory_space<vmem>>
      %parallel_loop3A_294 = tpu.memref_squeeze %parallel_loop3A_293 : memref<1x128x128xf32, #tpu.memory_space<vmem>> -> memref<128x128xf32, #tpu.memory_space<vmem>>
      %parallel_loop3A_295 = arith.index_cast %parallel_loop3A_221 : i32 to index
      %parallel_loop3A_296 = arith.constant 64 : index
      %parallel_loop3A_297 = tpu.vector_load %parallel_loop3A_294[%parallel_loop3A_295, %parallel_loop3A_296] {strides = array<i32>} : memref<128x128xf32, #tpu.memory_space<vmem>>, vector<16xf32>,
      %parallel_loop3A_298 = arith.constant 0 : i32
      %parallel_loop3A_299 = arith.constant 0 : i32
      %parallel_loop3A_300 = tpu.memref_slice %arg12[%parallel_loop3A_207, %parallel_loop3A_298, %parallel_loop3A_299] : memref<2x128x128xf32, #tpu.memory_space<vmem>> -> memref<1x128x128xf32, #tpu.memory_space<vmem>>
      %parallel_loop3A_301 = tpu.memref_squeeze %parallel_loop3A_300 : memref<1x128x128xf32, #tpu.memory_space<vmem>> -> memref<128x128xf32, #tpu.memory_space<vmem>>
      %parallel_loop3A_302 = arith.index_cast %parallel_loop3A_221 : i32 to index
      %parallel_loop3A_303 = arith.constant 64 : index
      %parallel_loop3A_304 = tpu.vector_load %parallel_loop3A_301[%parallel_loop3A_302, %parallel_loop3A_303] {strides = array<i32>} : memref<128x128xf32, #tpu.memory_space<vmem>>, vector<16xf32>,
      %parallel_loop3A_305 = arith.mulf %parallel_loop3A_297, %parallel_loop3A_304 : vector<16xf32>
      %parallel_loop3A_306 = arith.addf %parallel_loop3A_274, %parallel_loop3A_305 : vector<16xf32>
      %parallel_loop3A_307 = arith.constant 0 : i32
      %parallel_loop3A_308 = arith.constant 0 : i32
      %parallel_loop3A_309 = tpu.memref_slice %arg11[%parallel_loop3A_206, %parallel_loop3A_307, %parallel_loop3A_308] : memref<2x128x128xf32, #tpu.memory_space<vmem>> -> memref<1x128x128xf32, #tpu.memory_space<vmem>>
      %parallel_loop3A_310 = tpu.memref_squeeze %parallel_loop3A_309 : memref<1x128x128xf32, #tpu.memory_space<vmem>> -> memref<128x128xf32, #tpu.memory_space<vmem>>
      %parallel_loop3A_311 = arith.index_cast %parallel_loop3A_221 : i32 to index
      %parallel_loop3A_312 = arith.constant 80 : index
      %parallel_loop3A_313 = tpu.vector_load %parallel_loop3A_310[%parallel_loop3A_311, %parallel_loop3A_312] {strides = array<i32>} : memref<128x128xf32, #tpu.memory_space<vmem>>, vector<16xf32>,
      %parallel_loop3A_314 = arith.constant 0 : i32
      %parallel_loop3A_315 = arith.constant 0 : i32
      %parallel_loop3A_316 = tpu.memref_slice %arg12[%parallel_loop3A_207, %parallel_loop3A_314, %parallel_loop3A_315] : memref<2x128x128xf32, #tpu.memory_space<vmem>> -> memref<1x128x128xf32, #tpu.memory_space<vmem>>
      %parallel_loop3A_317 = tpu.memref_squeeze %parallel_loop3A_316 : memref<1x128x128xf32, #tpu.memory_space<vmem>> -> memref<128x128xf32, #tpu.memory_space<vmem>>
      %parallel_loop3A_318 = arith.index_cast %parallel_loop3A_221 : i32 to index
      %parallel_loop3A_319 = arith.constant 80 : index
      %parallel_loop3A_320 = tpu.vector_load %parallel_loop3A_317[%parallel_loop3A_318, %parallel_loop3A_319] {strides = array<i32>} : memref<128x128xf32, #tpu.memory_space<vmem>>, vector<16xf32>,
      %parallel_loop3A_321 = arith.mulf %parallel_loop3A_313, %parallel_loop3A_320 : vector<16xf32>
      %parallel_loop3A_322 = arith.addf %parallel_loop3A_290, %parallel_loop3A_321 : vector<16xf32>
      %parallel_loop3A_323 = arith.constant 0 : i32
      %parallel_loop3A_324 = arith.constant 0 : i32
      %parallel_loop3A_325 = tpu.memref_slice %arg11[%parallel_loop3A_206, %parallel_loop3A_323, %parallel_loop3A_324] : memref<2x128x128xf32, #tpu.memory_space<vmem>> -> memref<1x128x128xf32, #tpu.memory_space<vmem>>
      %parallel_loop3A_326 = tpu.memref_squeeze %parallel_loop3A_325 : memref<1x128x128xf32, #tpu.memory_space<vmem>> -> memref<128x128xf32, #tpu.memory_space<vmem>>
      %parallel_loop3A_327 = arith.index_cast %parallel_loop3A_221 : i32 to index
      %parallel_loop3A_328 = arith.constant 96 : index
      %parallel_loop3A_329 = tpu.vector_load %parallel_loop3A_326[%parallel_loop3A_327, %parallel_loop3A_328] {strides = array<i32>} : memref<128x128xf32, #tpu.memory_space<vmem>>, vector<16xf32>,
      %parallel_loop3A_330 = arith.constant 0 : i32
      %parallel_loop3A_331 = arith.constant 0 : i32
      %parallel_loop3A_332 = tpu.memref_slice %arg12[%parallel_loop3A_207, %parallel_loop3A_330, %parallel_loop3A_331] : memref<2x128x128xf32, #tpu.memory_space<vmem>> -> memref<1x128x128xf32, #tpu.memory_space<vmem>>
      %parallel_loop3A_333 = tpu.memref_squeeze %parallel_loop3A_332 : memref<1x128x128xf32, #tpu.memory_space<vmem>> -> memref<128x128xf32, #tpu.memory_space<vmem>>
      %parallel_loop3A_334 = arith.index_cast %parallel_loop3A_221 : i32 to index
      %parallel_loop3A_335 = arith.constant 96 : index
      %parallel_loop3A_336 = tpu.vector_load %parallel_loop3A_333[%parallel_loop3A_334, %parallel_loop3A_335] {strides = array<i32>} : memref<128x128xf32, #tpu.memory_space<vmem>>, vector<16xf32>,
      %parallel_loop3A_337 = arith.mulf %parallel_loop3A_329, %parallel_loop3A_336 : vector<16xf32>
      %parallel_loop3A_338 = arith.addf %parallel_loop3A_306, %parallel_loop3A_337 : vector<16xf32>
      %parallel_loop3A_339 = arith.constant 0 : i32
      %parallel_loop3A_340 = arith.constant 0 : i32
      %parallel_loop3A_341 = tpu.memref_slice %arg11[%parallel_loop3A_206, %parallel_loop3A_339, %parallel_loop3A_340] : memref<2x128x128xf32, #tpu.memory_space<vmem>> -> memref<1x128x128xf32, #tpu.memory_space<vmem>>
      %parallel_loop3A_342 = tpu.memref_squeeze %parallel_loop3A_341 : memref<1x128x128xf32, #tpu.memory_space<vmem>> -> memref<128x128xf32, #tpu.memory_space<vmem>>
      %parallel_loop3A_343 = arith.index_cast %parallel_loop3A_221 : i32 to index
      %parallel_loop3A_344 = arith.constant 112 : index
      %parallel_loop3A_345 = tpu.vector_load %parallel_loop3A_342[%parallel_loop3A_343, %parallel_loop3A_344] {strides = array<i32>} : memref<128x128xf32, #tpu.memory_space<vmem>>, vector<16xf32>,
      %parallel_loop3A_346 = arith.constant 0 : i32
      %parallel_loop3A_347 = arith.constant 0 : i32
      %parallel_loop3A_348 = tpu.memref_slice %arg12[%parallel_loop3A_207, %parallel_loop3A_346, %parallel_loop3A_347] : memref<2x128x128xf32, #tpu.memory_space<vmem>> -> memref<1x128x128xf32, #tpu.memory_space<vmem>>
      %parallel_loop3A_349 = tpu.memref_squeeze %parallel_loop3A_348 : memref<1x128x128xf32, #tpu.memory_space<vmem>> -> memref<128x128xf32, #tpu.memory_space<vmem>>
      %parallel_loop3A_350 = arith.index_cast %parallel_loop3A_221 : i32 to index
      %parallel_loop3A_351 = arith.constant 112 : index
      %parallel_loop3A_352 = tpu.vector_load %parallel_loop3A_349[%parallel_loop3A_350, %parallel_loop3A_351] {strides = array<i32>} : memref<128x128xf32, #tpu.memory_space<vmem>>, vector<16xf32>,
      %parallel_loop3A_353 = arith.mulf %parallel_loop3A_345, %parallel_loop3A_352 : vector<16xf32>
      %parallel_loop3A_354 = arith.addf %parallel_loop3A_322, %parallel_loop3A_353 : vector<16xf32>
      %parallel_loop3A_355 = arith.addf %parallel_loop3A_338, %parallel_loop3A_354 : vector<16xf32>
      %parallel_loop3A_356 = arith.constant true
      %parallel_loop3A_357 = vector.broadcast %parallel_loop3A_356 : i1 to vector<16xi1>
      %parallel_loop3A_358 = tpu.scan <sum>, %parallel_loop3A_355 masked %parallel_loop3A_357 : vector<16xf32>, vector<16xi1> -> vector<16xf32>
      %parallel_loop3A_359 = vector.extract %parallel_loop3A_358[15] : f32 from vector<16xf32>
      %parallel_loop3A_360 = arith.constant 384 : i32
      %parallel_loop3A_361 = arith.addi %parallel_loop3A_360, %parallel_loop3A_221 : i32
      %parallel_loop3A_362 = arith.index_cast %parallel_loop3A_361 : i32 to index
      %parallel_loop3A_363 = tpu.vector_load %arg10[%parallel_loop3A_362] {strides = array<i32>} : memref<528xf32, #tpu.memory_space<vmem>>, vector<16xf32>,
      %parallel_loop3A_364 = vector.extract_strided_slice %parallel_loop3A_363 {offsets = [0], sizes = [1], strides = [1]} : vector<16xf32> to vector<1xf32>
      %parallel_loop3A_365 = vector.extract %parallel_loop3A_364[0] : f32 from vector<1xf32>
      %parallel_loop3A_366 = arith.subf %parallel_loop3A_359, %parallel_loop3A_365 : f32
      %parallel_loop3A_367 = arith.mulf %parallel_loop3A_366, %parallel_loop3A_366 : f32
      %parallel_loop3A_368 = arith.addf %parallel_loop3A_222, %parallel_loop3A_367 : f32
      scf.yield %parallel_loop3A_368 : f32
    } {sc.loop_unroll_factor = 4 : i64, sc.parallel_access}
    %eq3A_210 = arith.constant 0 : i32
    %eq3A_211 = vector.broadcast %eq3A_210 : i32 to vector<16xi32>
    %eq3A_212 = arith.cmpi eq, %iota3A, %eq3A_211 : vector<16xi32>
    %jit3A_213 = arith.constant 0.000000e+00 : f32
    %broadcast_in_dim3A_214 = vector.broadcast %parallel_loop3A_209 : f32 to vector<16xf32>
    %broadcast_in_dim3A_215 = vector.broadcast %jit3A_213 : f32 to vector<16xf32>
    %select_n3A_216 = arith.select %eq3A_212, %broadcast_in_dim3A_214, %broadcast_in_dim3A_215 : vector<16xi1>, vector<16xf32>
    %add3A_217 = arith.addf %add3A_182, %select_n3A_216 : vector<16xf32>
    %swap3A = arith.constant 0 : index
    %swap3A_218 = tpu.vector_load %arg13[%swap3A] {strides = array<i32>} : memref<16xf32, #tpu.memory_space<vmem>>, vector<16xf32>,
    tpu.vector_store %arg13[%swap3A], %add3A_217 {strides = array<i32>} : memref<16xf32, #tpu.memory_space<vmem>>, vector<16xf32>,
    %mul3A_219 = arith.constant 16 : i32
    %mul3A_220 = arith.muli %add3A, %mul3A_219 : i32
    "tpu.region"() ({
      %run_scoped3A = tpu.sem_alloc : memref<!tpu.dma_semaphore, #tpu.memory_space<semaphore_mem>>
      %dma_start3A_221 = tpu.memref_slice %arg7[%mul3A_220] : memref<512xf32, #tpu.memory_space<hbm>> -> memref<16xf32, #tpu.memory_space<hbm>>
      %dma_start3A_222 = tpu.memref_slice %arg7[%mul3A_220] : memref<512xf32, #tpu.memory_space<hbm>> -> memref<16xf32, #tpu.memory_space<hbm>>
      tpu.enqueue_dma source(%arg13 : memref<16xf32, #tpu.memory_space<vmem>>) target(%dma_start3A_222 : memref<16xf32, #tpu.memory_space<hbm>>) target_semaphore(%run_scoped3A : memref<!tpu.dma_semaphore, #tpu.memory_space<semaphore_mem>>)
      %dma_wait3A_223 = tpu.memref_slice %arg7[%mul3A_220] : memref<512xf32, #tpu.memory_space<hbm>> -> memref<16xf32, #tpu.memory_space<hbm>>
      %dma_wait3A_224 = tpu.memref_slice %arg7[%mul3A_220] : memref<512xf32, #tpu.memory_space<hbm>> -> memref<16xf32, #tpu.memory_space<hbm>>
      tpu.wait_dma2 semaphore(%run_scoped3A : memref<!tpu.dma_semaphore, #tpu.memory_space<semaphore_mem>>) src(%arg13 : memref<16xf32, #tpu.memory_space<vmem>>) dst(%dma_wait3A_224 : memref<16xf32, #tpu.memory_space<hbm>>)
      tpu.yield
    }) : () -> ()
    return
  }
}

module attributes {stable_mosaic.version = 14 : i64} {
  func.func @_tc_reg_kernel(%arg0: i32, %arg1: memref<10000x128xf32, #tpu.memory_space<vmem>>, %arg2: memref<10000x128xf32, #tpu.memory_space<vmem>>, %arg3: memref<1x1xf32, #tpu.memory_space<smem>>) attributes {dimension_semantics = [#tpu.dimension_semantics<arbitrary>], iteration_bounds = array<i64: 10>, scalar_prefetch = 0 : i64, scratch_operands = 0 : i64, tpu.core_type = #tpu.core_type<tc>, window_params = [{transform_indices = @transform_0, window_bounds = array<i64: 10000, 128>}, {transform_indices = @transform_1, window_bounds = array<i64: 10000, 128>}, {transform_indices = @transform_2, window_bounds = array<i64: 1, 1>}]} {
    %eq3A = arith.constant 0 : i32
    %eq3A_0 = arith.cmpi eq, %arg0, %eq3A : i32
    %convert_element_type3A = arith.extui %eq3A_0 : i1 to i32
    %cond3A = arith.constant 0 : i32
    %cond3A_1 = arith.cmpi ne, %convert_element_type3A, %cond3A : i32
    scf.if %cond3A_1 {
      %swap3A_23 = arith.constant 0.000000e+00 : f32
      %swap3A_24 = arith.constant 0 : index
      %swap3A_25 = arith.constant 0 : index
      %swap3A_26 = memref.load %arg3[%swap3A_24, %swap3A_25] : memref<1x1xf32, #tpu.memory_space<smem>>
      memref.store %swap3A_23, %arg3[%swap3A_24, %swap3A_25] : memref<1x1xf32, #tpu.memory_space<smem>>
    } else {
    }
    %get3A = arith.constant 0 : index
    %get3A_2 = arith.constant 0 : index
    %get3A_3 = vector.load %arg1[%get3A, %get3A_2] : memref<10000x128xf32, #tpu.memory_space<vmem>>, vector<10000x128xf32>
    %get3A_4 = arith.constant 0 : index
    %get3A_5 = arith.constant 0 : index
    %get3A_6 = vector.load %arg2[%get3A_4, %get3A_5] : memref<10000x128xf32, #tpu.memory_space<vmem>>, vector<10000x128xf32>
    %get3A_7 = arith.constant 0 : index
    %get3A_8 = arith.constant 0 : index
    %get3A_9 = memref.load %arg3[%get3A_7, %get3A_8] : memref<1x1xf32, #tpu.memory_space<smem>>
    %mul3A = arith.mulf %get3A_3, %get3A_3 : vector<10000x128xf32>
    %reduce_sum3A = vector.shape_cast %mul3A : vector<10000x128xf32> to vector<1x10000x128xf32>
    %reduce_sum3A_10 = arith.constant dense<0.000000e+00> : vector<1xf32>
    %reduce_sum3A_11 = vector.multi_reduction <add>, %reduce_sum3A, %reduce_sum3A_10 [1, 2] : vector<1x10000x128xf32> to vector<1xf32>
    %reduce_sum3A_12 = vector.shape_cast %reduce_sum3A_11 : vector<1xf32> to vector<1x1x1xf32>
    %reduce_sum3A_13 = vector.extract %reduce_sum3A_12[0, 0, 0] : f32 from vector<1x1x1xf32>
    %mul3A_14 = arith.mulf %get3A_6, %get3A_6 : vector<10000x128xf32>
    %reduce_sum3A_15 = vector.shape_cast %mul3A_14 : vector<10000x128xf32> to vector<1x10000x128xf32>
    %reduce_sum3A_16 = arith.constant dense<0.000000e+00> : vector<1xf32>
    %reduce_sum3A_17 = vector.multi_reduction <add>, %reduce_sum3A_15, %reduce_sum3A_16 [1, 2] : vector<1x10000x128xf32> to vector<1xf32>
    %reduce_sum3A_18 = vector.shape_cast %reduce_sum3A_17 : vector<1xf32> to vector<1x1x1xf32>
    %reduce_sum3A_19 = vector.extract %reduce_sum3A_18[0, 0, 0] : f32 from vector<1x1x1xf32>
    %add3A = arith.addf %reduce_sum3A_13, %reduce_sum3A_19 : f32
    %add3A_20 = arith.addf %get3A_9, %add3A : f32
    %swap3A = arith.constant 0 : index
    %swap3A_21 = arith.constant 0 : index
    %swap3A_22 = memref.load %arg3[%swap3A, %swap3A_21] : memref<1x1xf32, #tpu.memory_space<smem>>
    memref.store %add3A_20, %arg3[%swap3A, %swap3A_21] : memref<1x1xf32, #tpu.memory_space<smem>>
    return
  }
  func.func @transform_0(%arg0: i32) -> (i32, i32) {
    %c0_i32 = arith.constant 0 : i32
    %c0_i32_0 = arith.constant 0 : i32
    return %arg0, %c0_i32 : i32, i32
  }
  func.func @transform_1(%arg0: i32) -> (i32, i32) {
    %c0_i32 = arith.constant 0 : i32
    %c0_i32_0 = arith.constant 0 : i32
    return %arg0, %c0_i32 : i32, i32
  }
  func.func @transform_2(%arg0: i32) -> (i32, i32) {
    %c0_i32 = arith.constant 0 : i32
    %c0_i32_0 = arith.constant 0 : i32
    %c0_i32_1 = arith.constant 0 : i32
    return %c0_i32, %c0_i32_0 : i32, i32
  }
}

module attributes {stable_mosaic.version = 14 : i64} {
  func.func @_combine_kernel(%arg0: memref<4x128xf32, #tpu.memory_space<vmem>>, %arg1: memref<1x1xf32, #tpu.memory_space<smem>>, %arg2: memref<1x1xf32, #tpu.memory_space<smem>>, %arg3: memref<1x1xf32, #tpu.memory_space<smem>>) attributes {dimension_semantics = [], scalar_prefetch = 0 : i64, scratch_operands = 0 : i64, tpu.core_type = #tpu.core_type<tc>} {
    %get3A = arith.constant 0 : index
    %get3A_0 = arith.constant 0 : index
    %get3A_1 = vector.load %arg0[%get3A, %get3A_0] : memref<4x128xf32, #tpu.memory_space<vmem>>, vector<4x128xf32>
    %reduce_sum3A = vector.shape_cast %get3A_1 : vector<4x128xf32> to vector<1x4x128xf32>
    %reduce_sum3A_2 = arith.constant dense<0.000000e+00> : vector<1xf32>
    %reduce_sum3A_3 = vector.multi_reduction <add>, %reduce_sum3A, %reduce_sum3A_2 [1, 2] : vector<1x4x128xf32> to vector<1xf32>
    %reduce_sum3A_4 = vector.shape_cast %reduce_sum3A_3 : vector<1xf32> to vector<1x1x1xf32>
    %reduce_sum3A_5 = vector.extract %reduce_sum3A_4[0, 0, 0] : f32 from vector<1x1x1xf32>
    %mul3A = arith.constant 6.10351563E-5 : f32
    %mul3A_6 = arith.mulf %reduce_sum3A_5, %mul3A : f32
    %get3A_7 = arith.constant 0 : index
    %get3A_8 = arith.constant 0 : index
    %get3A_9 = memref.load %arg1[%get3A_7, %get3A_8] : memref<1x1xf32, #tpu.memory_space<smem>>
    %mul3A_10 = arith.constant 9.99999974E-5 : f32
    %mul3A_11 = arith.mulf %mul3A_10, %get3A_9 : f32
    %add3A = arith.addf %mul3A_6, %mul3A_11 : f32
    %swap3A = arith.constant 0 : index
    %swap3A_12 = arith.constant 0 : index
    %swap3A_13 = memref.load %arg2[%swap3A, %swap3A_12] : memref<1x1xf32, #tpu.memory_space<smem>>
    memref.store %add3A, %arg2[%swap3A, %swap3A_12] : memref<1x1xf32, #tpu.memory_space<smem>>
    %sqrt3A = math.sqrt %mul3A_6 : f32
    %swap3A_14 = arith.constant 0 : index
    %swap3A_15 = arith.constant 0 : index
    %swap3A_16 = memref.load %arg3[%swap3A_14, %swap3A_15] : memref<1x1xf32, #tpu.memory_space<smem>>
    memref.store %sqrt3A, %arg3[%swap3A_14, %swap3A_15] : memref<1x1xf32, #tpu.memory_space<smem>>
    return
  }
}

</mosaic_0001>

<sc_bundles>
// kernel: kernel.5.cloned.1.call-start
scs
__scs_entry_jumppad:
0x0: {  	(pc) =	sbr.rel $0x88, $3  }
0x1: {  	(tag) =	ssettag $0x0;
	lr =	simm.s32 $0x1  }
0x2: {  	[smem:$0x3F9C] =	sst lr;
	_ =	strace $0xD0000000  }
0x3: {  	_ = 	snop  }
0x4: {  	_ = 	snop  }
0x5: {  	_ = 	snop  }
0x6: {  	_ = 	snop  }
0x7: {  	_ = 	snop  }
__scs_overlays_trampoline_lowered:
0x8: {  	[smem:$0x3FAB] =	sst s0  }
0x9: {  	[smem:$0x3FAC] =	sst s1  }
0xa: {  	[smem:$0x3FAD] =	sst s2  }
0xb: {  	[smem:$0x3FAE] =	sst s3  }
0xc: {  	[smem:$0x3FAF] =	sst s4  }
0xd: {  	[smem:$0x3FB0] =	sst s5  }
0xe: {  	[smem:$0x3FB1] =	sst s6  }
0xf: {  	[smem:$0x3FB2] =	sst s7  }
0x10: {  	[smem:$0x3FB3] =	sst s8  }
0x11: {  	[smem:$0x3FB4] =	sst s9;
	s0 =	simm.s32 @!p0 $0x0  }
0x12: {  	s1 =	sld [smem:$0x3F9A];
	s0 =	simm.s32 @p0 $0x1  }
0x13: {  	[smem:$0x3FB5] =	sst s0;
	s0 =	simm.s32 @!p1 $0x0  }
0x14: {  	s2 =	sld [smem:$0x3F99];
	s0 =	simm.s32 @p1 $0x1  }
0x15: {  	[smem:$0x3FB6] =	sst s0;
	s0 =	simm.s32 @!p2 $0x0  }
0x16: {  	s3 =	sld [smem:$0x3FDB];
	s0 =	simm.s32 @p2 $0x1  }
0x17: {  	s4 =	simm.s32 $0x1BF5;
	[smem:$0x3FB8] =	sst s0  }
0x18: {  	s0 =	sld [smem:$0x3F9B];
	_ =	swait.ge [sflag:s4], $0x0  }
0x19: {  	s7 =	sld [smem:$0x3F9C]  }
0x1a: {  	s8 =	sadd.s32 $0xFFFFE003, lr  }
0x1b: {  	s9 =	sadd.s32 $0xFFFFFEF7, lr;
	s5 =	simm.s32 $0xFFFFFFFF;
	p2 =	slt.u32 s8, $0xFFFFF086  }
0x1c: {  	p1 =	slt.u32 s9, $0xF7A;
	s5 =	simm.s32 @!p2 $0x0  }
0x1d: {  	s5 =	simm.s32 @p1 $0x1;
	p0 =	seq.s32 s7, s2  }
0x1e: {  	s7 =	smul.u32 @!p0 $0xF7A, s2;
	p2 =	seq.s32 @!p0 s5, $0x0  }
0x1f: {  	s9 =	smul.u32 $0xF7A, s1;
	s8 =	simm.s32 @!p0 $0x1BF5;
	p2 =	por !p2, p0  }
0x20: {  	[sflag:s8] =	ssyncset.s32 @!p0 $0xFFFFF086;
	s6 =	sadd.s32 @!p0 s3, s7;
	s7 =	simm.s32 @!p0 $0x108  }
0x21: {  	s3 =	sadd.s32 s3, s9;
	s6 =	sadd.s32 @!p0 $0x88, s6;
	s7 =	simm.s32 @p2 $0x1082  }
0x22: {  	[simem:s7], [sflag:s8] =	dma.local @!p0 [hbm:s6], $0xF7A  }
0x23: {  	s9 =	sor.u32 $0xD0000000, s2;
	s6 =	simm.s32 $0x108;
	_ =	swait.ge @!p0 [sflag:s8], $0x0  }
0x24: {  	s3 =	sadd.s32 $0x88, s3;
	s6 =	simm.s32 @!p1 $0x1082;
	[sflag:s4] =	ssyncset.s32 $0xFFFFF086  }
0x25: {  	[simem:s6], [sflag:s4] =	dma.local [hbm:s3], $0xF7A  }
0x26: {  	[smem:$0x3F9C] =	sst s1;
	(tag) =	ssettag s2;
	_ =	strace s9  }
0x27: {  	s1 =	sld [smem:$0x3FAC]  }
0x28: {  	s2 =	sld [smem:$0x3FAD]  }
0x29: {  	s4 =	sld [smem:$0x3FAF]  }
0x2a: {  	p0 =	seq.s32 s5, $0x0;
	s5 =	sld [smem:$0x3FB0]  }
0x2b: {  	s6 =	sld [smem:$0x3FB1]  }
0x2c: {  	s7 =	sld [smem:$0x3FB2]  }
0x2d: {  	s3 =	simm.s32 $0x108;
	s8 =	sld [smem:$0x3FB3]  }
0x2e: {  	s3 =	simm.s32 @!p0 $0x1082;
	s9 =	sld [smem:$0x3FB4]  }
0x2f: {  	lr =	sadd.s32 s0, s3;
	s0 =	sld [smem:$0x3FAB]  }
0x30: {  	s3 =	sld [smem:$0x3FAE]  }
0x31: {  	[smem:$0x3FB7] =	sst s10  }
0x32: {  	s10 =	sld [smem:$0x3FB5];
	_ =	sdelay $0x3  }
0x33: {  	p0 =	seq.s32 s10, $0x1;
	s10 =	sld [smem:$0x3FB7];
	_ =	sdelay $0x3  }
0x34: {  	[smem:$0x3FB7] =	sst s10  }
0x35: {  	s10 =	sld [smem:$0x3FB6];
	_ =	sdelay $0x3  }
0x36: {  	p1 =	seq.s32 s10, $0x1;
	s10 =	sld [smem:$0x3FB7];
	_ =	sdelay $0x3  }
0x37: {  	[smem:$0x3FB7] =	sst s10  }
0x38: {  	s10 =	sld [smem:$0x3FB8]  }
0x39: {  	_ = 	snop;
	(pc) =	sbr.ind lr, $3  }
0x3a: {  	_ = 	snop  }
0x3b: {  	_ = 	snop  }
0x3c: {  	p2 =	seq.s32 s10, $0x1;
	s10 =	sld [smem:$0x3FB7]  }
0x3d: {  	_ =	shalt  }
0x3e: {  	_ =	shalt  }
0x3f: {  	_ =	shalt  }
0x40: {  	_ =	shalt  }
0x41: {  	_ =	shalt  }
0x42: {  	_ =	shalt  }
0x43: {  	_ =	shalt  }
0x44: {  	_ =	shalt  }
0x45: {  	_ =	shalt  }
0x46: {  	_ =	shalt  }
0x47: {  	_ =	shalt  }
0x48: {  	_ =	shalt  }
0x49: {  	_ =	shalt  }
0x4a: {  	_ =	shalt  }
0x4b: {  	_ =	shalt  }
0x4c: {  	_ =	shalt  }
0x4d: {  	_ =	shalt  }
0x4e: {  	_ =	shalt  }
0x4f: {  	_ =	shalt  }
0x50: {  	_ =	shalt  }
0x51: {  	_ =	shalt  }
0x52: {  	_ =	shalt  }
0x53: {  	_ =	shalt  }
0x54: {  	_ =	shalt  }
0x55: {  	_ =	shalt  }
0x56: {  	_ =	shalt  }
0x57: {  	_ =	shalt  }
0x58: {  	_ =	shalt  }
0x59: {  	_ =	shalt  }
0x5a: {  	_ =	shalt  }
0x5b: {  	_ =	shalt  }
0x5c: {  	_ =	shalt  }
0x5d: {  	_ =	shalt  }
0x5e: {  	_ =	shalt  }
0x5f: {  	_ =	shalt  }
0x60: {  	_ =	shalt  }
0x61: {  	_ =	shalt  }
0x62: {  	_ =	shalt  }
0x63: {  	_ =	shalt  }
0x64: {  	_ =	shalt  }
0x65: {  	_ =	shalt  }
0x66: {  	_ =	shalt  }
0x67: {  	_ =	shalt  }
0x68: {  	_ =	shalt  }
0x69: {  	_ =	shalt  }
0x6a: {  	_ =	shalt  }
0x6b: {  	_ =	shalt  }
0x6c: {  	_ =	shalt  }
0x6d: {  	_ =	shalt  }
0x6e: {  	_ =	shalt  }
0x6f: {  	_ =	shalt  }
0x70: {  	_ =	shalt  }
0x71: {  	_ =	shalt  }
0x72: {  	_ =	shalt  }
0x73: {  	_ =	shalt  }
0x74: {  	_ =	shalt  }
0x75: {  	_ =	shalt  }
0x76: {  	_ =	shalt  }
0x77: {  	_ =	shalt  }
0x78: {  	_ =	shalt  }
0x79: {  	_ =	shalt  }
0x7a: {  	_ =	shalt  }
0x7b: {  	_ =	shalt  }
0x7c: {  	_ =	shalt  }
0x7d: {  	_ =	shalt  }
0x7e: {  	_ =	shalt  }
0x7f: {  	_ =	shalt  }
0x80: {  	_ =	shalt  }
0x81: {  	_ =	shalt  }
0x82: {  	_ =	shalt  }
0x83: {  	_ =	shalt  }
0x84: {  	_ =	shalt  }
0x85: {  	_ =	shalt  }
0x86: {  	_ =	shalt  }
0x87: {  	_ =	shalt  }
.Lfunc_end0:
.L_simem_size_0:
called_computation_lowered:
.L_overlay_start_0:
0x88: {  	s2 =	sld [smem:$0x3FD9]  }
0x89: {  	s3 =	sld [smem:$0x3FFE];
	_ =	sdelay $0x1  }
0x8a: {  	s1 =	srdreg.scid  }
0x8b: {  	s0 =	sand.u32 $0x1, s1  }
0x8c: {  	s17 =	sshll.u32 s0, $0xA;
	s2 =	sadd.s32 s3, s2  }
0x8d: {  	s2 =	sadd.s32 s2, s17  }
0x8e: {  	[smem:$0x3FC3] =	sst s2  }
0x8f: {  	_ = 	snop  }
0x90: {  	s2 =	sld [smem:$0x3FC9]  }
0x91: {  	s18 =	sld [smem:$0x3FC8]  }
0x92: {  	s4 =	sld [smem:$0x3FC7]  }
0x93: {  	s5 =	sld [smem:$0x3FC6]  }
0x94: {  	s6 =	sld [smem:$0x3FC5];
	(tm) =	ssettm $0x1  }
0x95: {  	s7 =	sld [smem:$0x3FFB];
	_ =	sdelay $0x3  }
0x96: {  	_ =	strace s7  }
0x97: {  	s7 =	sld [smem:$0x3FFC];
	_ =	sdelay $0x3  }
0x98: {  	_ =	strace s7  }
0x99: {  	s7 =	sld [smem:$0x3FFD];
	_ =	sdelay $0x3  }
0x9a: {  	_ =	strace s7  }
0x9b: {  	_ =	strace $0x8FFFFFFF  }
0x9c: {  	s19 =	sld [smem:$0x3FDB];
	_ =	sdelay $0x1  }
0x9d: {  	s8 =	simm.s32 $_scs_section_size  }
0x9e: {  	s9 =	simm.s32 $_size__tile_overlayer_lowered;
	s10 =	simm.s32 $_tile_overlayer_lowered  }
0x9f: {  	s22 =	simm.s32 $0x1BFF;
	s21 =	sshll.u32 s10, $0x1;
	s7 =	sadd.s32 s8, s19  }
0xa0: {  	s11 =	simm.s32 $0x0;
	s20 =	sshll.u32 s9, $0x1;
	s9 =	sadd.s32 s21, s7  }
0xa1: {  	[timem:s11], [sflag:s22] =	dma.local [hbm:s9], s20  }
0xa2: {  	_ =	swait.ge [sflag:s22], s20  }
0xa3: {  	s8 =	ssub.s32 $0x0, s20;
	[sflag:s22] =	ssyncset.done $0x0  }
0xa4: {  	[sflag:s22] =	ssyncadd.s32 s8;
	_ =	sdelay $0x1  }
0xa5: {  	s23 =	simm.s32 $0x1B8B  }
0xa6: {  	_ =	swait.ge [sflag:s23], $0x1  }
0xa7: {  	[sflag:s23] =	ssyncset.done $0x0  }
0xa8: {  	s25 =	simm.s32 $0x1B8E;
	s24 =	sld [smem:$0x3FFE];
	[sflag:s23] =	ssyncadd.s32 $0xFFFFFFFF  }
0xa9: {  	s26 =	simm.s32 $execute0_lowered;
	[smem:$0x3FD2] =	sst s25  }
0xaa: {  	s9 =	sshll.u32 s26, $0x1;
	_ =	strace $0x80000046;
	[dreg:$0x1] =	wrdreg $0xFFFFFFFF  }
0xab: {  	s28 =	simm.s32 $_size_execute0_lowered;
	s7 =	sadd.s32 s7, s9;
	[dreg:$0x0] =	wrdreg $0x0  }
0xac: {  	s9 =	sshll.u32 s28, $0x1;
	[dreg:$0x2] =	wrdreg s7  }
0xad: {  	[dreg:$0x3] =	wrdreg s9  }
0xae: {  	[dreg:$0x4] =	wrdreg $0xC0  }
0xaf: {  	_ =	task [dreg:s11], $0x5FFFF  }
0xb0: {  	[dreg:$0x1] =	wrdreg $0xFFFFFFFF  }
0xb1: {  	[dreg:$0x0] =	wrdreg $0x60  }
0xb2: {  	[dreg:$0x2] =	wrdreg s2  }
0xb3: {  	[dreg:$0x3] =	wrdreg s18  }
0xb4: {  	[dreg:$0x4] =	wrdreg s4  }
0xb5: {  	[dreg:$0x5] =	wrdreg s5  }
0xb6: {  	[dreg:$0x6] =	wrdreg s6  }
0xb7: {  	[dreg:$0x7] =	wrdreg s24  }
0xb8: {  	[dreg:$0x8] =	wrdreg $0x9  }
0xb9: {  	_ =	task.clear_ibuf [dreg:s11], $0x9FFFF;
	_ =	strace $0x90000046  }
0xba: {  	s29 =	simm.s32 $0x9;
	_ =	strace $0x80000048  }
0xbb: {  	_ =	swait.ge [sflag:s29], $0x1  }
0xbc: {  	[sflag:s29] =	ssyncadd.s32 $0xFFFFFFFF  }
0xbd: {  	_ =	strace $0x90000048  }
0xbe: {  	_ =	sfence  }
0xbf: {  	s30 =	sld [smem:$0x0];
	_ =	sdelay $0x2  }
0xc0: {  	s31 =	sshll.u32 s1, $0xD;
	s1 =	sshrl.u32 s1, $0x2  }
0xc1: {  	s3 =	sand.u32 $0x4000, s31;
	s1 =	sadd.s32 s1, s30  }
0xc2: {  	s0 =	sor.u32 s3, s0;
	s1 =	sshll.u32 s1, $0x11  }
0xc3: {  	s0 =	sor.u32 s1, s0  }
0xc4: {  	s0 =	sadd.s32 $0x8F2B, s0  }
0xc5: {  	[sflag:s0] =	ssyncadd.remote.s32 $0x1  }
0xc6: {  	_ =	sfence.sel $0xFFFF  }
0xc7: {  	[dreg:$0x0] =	wrdreg $0xFFFFFFFF;
	(pc) =	sbr.abs _section_cstart, $3  }
0xc8: {  	[dreg:$0x1] =	wrdreg $0xFFFFFFFF  }
0xc9: {  	_ =	task.clear_ibuf [dreg:s11], $0x2FFFF;
	_ =	strace $0x9FFFFFFF  }
0xca: {  	(tm) =	ssettm $0x7FFFFFFF  }
0xcb: {  	_ =	shalt  }
tec
execute0_lowered:
.L_overlay_start_1:
0x0: {  	(tag) =	ssettag $0x1  }
0x1: {  	s0 =	rddreg [dreg:$0x0]  }
0x2: {  	s3 =	rddreg [dreg:$0x1]  }
0x3: {  	s7 =	rddreg [dreg:$0x2]  }
0x4: {  	s1 =	rddreg [dreg:$0x3]  }
0x5: {  	s2 =	rddreg [dreg:$0x4]  }
0x6: {  	s5 =	rddreg [dreg:$0x5];
	s4 =	simm.s32 $0x0  }
0x7: {  	s6 =	srdreg.scid;
	s8 =	stileid.u32;
	s13 =	simm.s32 $0x80  }
0x8: {  	s14 =	simm.s32 $0x680;
	s15 =	simm.s32 $0x8680;
	s16 =	simm.s32 $0x4680  }
0x9: {  	s18 =	simm.s32 $0xC680;
	s19 =	simm.s32 $0x1;
	s22 =	simm.s32 $0x2  }
0xa: {  	s26 =	simm.s32 $0x0;
	s6 =	sand.u32 $0x1, s6;
	s8 =	sshll.u32 s8, $0x1  }
0xb: {  	[smem:$0x7FF] =	sst s4;
	s8 =	sor.u32 s6, s8;
	s6 =	ssub.s32 $0x2, s6  }
0xc: {  	_ =	strace $0x80000047;
	s9 =	sshll.u32 s8, $0x1;
	s10 =	sshrl.u32 s6, $0x1  }
0xd: {  	s8 =	sshll.u32 s8, $0x6;
	s9 =	sadd.s32 s9, s5;
	s10 =	ssub.s32 s6, s10  }
0xe: {  	s5 =	sadd.s32 s0, s8;
	s6 =	sadd.s32 s3, s8;
	s7 =	sadd.s32 s7, s8  }
0xf: {  	vm0 =	vcmask $0x300;
	s8 =	sadd.s32 $0x800, s9;
	s9 =	smax.u32 s10, $0x1;
	s10 =	simm.s32 $0x3  }
.LBB2_1:
0x10: {  	[tilespmem:s4], [sflag:$0x3] =	stream.linear.gather [hbm4b:s5+s4], $0x200, $0x38;
	[tilespmem:$0x10700] =	vst v63  }
0x11: {  	_ =	swait.ge [sflag:s10], $0x200  }
0x12: {  	[sflag:s10] =	ssyncset.done $0x0  }
0x13: {  	s0 =	simm.s32 $0x200;
	[sflag:s10] =	ssyncadd.s32 $0xFFFFFE00  }
0x14: {  	[tilespmem:s0], [sflag:$0x3] =	stream.linear.gather [hbm4b:s6+s4], $0x200, $0x38;
	[tilespmem:$0x10700] =	vst v63  }
0x15: {  	_ =	swait.ge [sflag:s10], $0x200  }
0x16: {  	[sflag:s10] =	ssyncset.done $0x0  }
0x17: {  	s3 =	simm.s32 $0x400;
	[sflag:s10] =	ssyncadd.s32 $0xFFFFFE00  }
0x18: {  	[tilespmem:s3], [sflag:$0x3] =	stream.linear.gather [hbm4b:s7+s4], $0x200, $0x38;
	[tilespmem:$0x10700] =	vst v63  }
0x19: {  	_ =	swait.ge [sflag:s10], $0x200  }
0x1a: {  	[sflag:s10] =	ssyncset.done $0x0  }
0x1b: {  	[sflag:s10] =	ssyncadd.s32 $0xFFFFFE00  }
0x1c: {  	[tilespmem:s14], [sflag:$0x1] =	stream.indirect.gather [hbm4b:s1+s13], $0x80, s4, s13, $0xb8;
	[tilespmem:$0x10700] =	vst v63  }
0x1d: {  	_ = 	snop  }
0x1e: {  	[tilespmem:s15], [sflag:$0x1] =	stream.indirect.gather [hbm4b:s2+s13], $0x80, s0, s13, $0xb8;
	[tilespmem:$0x10700] =	vst v63  }
0x1f: {  	_ = 	snop  }
0x20: {  	[tilespmem:s16], [sflag:$0x2] =	stream.indirect.gather [hbm4b:s1+s13], $0x80, s13, s13, $0xb8;
	[tilespmem:$0x10700] =	vst v63  }
0x21: {  	s25 =	simm.s32 $0x280  }
0x22: {  	[tilespmem:s18], [sflag:$0x2] =	stream.indirect.gather [hbm4b:s2+s13], $0x80, s25, s13, $0xb8;
	[tilespmem:$0x10700] =	vst v63  }
0x23: {  	_ =	swait.ge [sflag:s19], $0x4000  }
0x24: {  	[sflag:s19] =	ssyncset.done $0x0  }
0x25: {  	[sflag:s19] =	ssyncadd.s32 $0xFFFFC000  }
0x26: {  	_ =	swait.ge [sflag:s19], $0x4000  }
0x27: {  	[sflag:s19] =	ssyncset.done $0x0  }
0x28: {  	s31 =	simm.s32 $0x780;
	[sflag:s19] =	ssyncadd.s32 $0xFFFFC000  }
0x29: {  	s28 =	simm.s32 $0x8780;
	v0 =	vld [tilespmem:s31+$0xE0]  }
0x2a: {  	v1 =	vld [tilespmem:s28+$0xE0]  }
0x2b: {  	v2 =	vld [tilespmem:s31+$0x60]  }
0x2c: {  	v3 =	vld [tilespmem:s28+$0x60]  }
0x2d: {  	v4 =	vld [tilespmem:s31+$0x70]  }
0x2e: {  	v5 =	vld [tilespmem:s28+$0x70]  }
0x2f: {  	v6 =	vld [tilespmem:s31+$0xC0]  }
0x30: {  	v7 =	vld [tilespmem:s28+$0xC0]  }
0x31: {  	v8 =	vld [tilespmem:s31+$0xFFFFFFE0]  }
0x32: {  	v9 =	vld [tilespmem:s28+$0xFFFFFFE0]  }
0x33: {  	v10 =	vld [tilespmem:s31+$0xFFFFFFF0]  }
0x34: {  	v11 =	vld [tilespmem:s28+$0xFFFFFFF0]  }
0x35: {  	v12 =	vld [tilespmem:s31+$0x40]  }
0x36: {  	v13 =	vld [tilespmem:s28+$0x40]  }
0x37: {  	v14 =	vld [tilespmem:s31+$0x50]  }
0x38: {  	v15 =	vld [tilespmem:s28+$0x50]  }
0x39: {  	v16 =	vld [tilespmem:s31+$0xA0]  }
0x3a: {  	v17 =	vld [tilespmem:s28+$0xA0]  }
0x3b: {  	v18 =	vld [tilespmem:s31+$0xB0]  }
0x3c: {  	v19 =	vld [tilespmem:s28+$0xB0]  }
0x3d: {  	v20 =	vld [tilespmem:s31+$0xFFFFFF60]  }
0x3e: {  	v21 =	vld [tilespmem:s28+$0xFFFFFF60]  }
0x3f: {  	v22 =	vld [tilespmem:s31+$0xFFFFFFC0]  }
0x40: {  	v23 =	vld [tilespmem:s28+$0xFFFFFFC0]  }
0x41: {  	v24 =	vld [tilespmem:s31+$0xFFFFFFD0]  }
0x42: {  	v25 =	vld [tilespmem:s28+$0xFFFFFFD0]  }
0x43: {  	v26 =	vld [tilespmem:s31+$0x20]  }
0x44: {  	v27 =	vld [tilespmem:s28+$0x20]  }
0x45: {  	v28 =	vld [tilespmem:s31+$0x30]  }
0x46: {  	v29 =	vld [tilespmem:s28+$0x30]  }
0x47: {  	v30 =	vld [tilespmem:s31+$0x80]  }
0x48: {  	v31 =	vld [tilespmem:s28+$0x80]  }
0x49: {  	v32 =	vld [tilespmem:s31+$0x90]  }
0x4a: {  	v33 =	vld [tilespmem:s28+$0x90]  }
0x4b: {  	v34 =	vld [tilespmem:s31+$0xFFFFFF40]  }
0x4c: {  	v35 =	vld [tilespmem:s31+$0xFFFFFFA0]  }
0x4d: {  	v36 =	vld [tilespmem:s28+$0xFFFFFFA0]  }
0x4e: {  	v37 =	vld [tilespmem:s31+$0x0]  }
0x4f: {  	v38 =	vld [tilespmem:s28+$0x0]  }
0x50: {  	v39 =	vld [tilespmem:s31+$0x10]  }
0x51: {  	v40 =	vld [tilespmem:s28+$0x10]  }
0x52: {  	v41 =	vld [tilespmem:s31+$0xFFFFFF80]  }
0x53: {  	v42 =	vld [tilespmem:s28+$0xFFFFFF80]  }
0x54: {  	v43 =	vld [tilespmem:s31+$0xFFFFFF90]  }
0x55: {  	v44 =	vld [tilespmem:s28+$0xFFFFFF90];
	v2 =	vmul.f32 v3, v2  }
0x56: {  	v63 =	vld [tilespmem:s31+$0xFFFFFFB0];
	v9 =	vmul.f32 v9, v8;
	v4 =	vmul.f32 v5, v4  }
0x57: {  	v3 =	vld [tilespmem:s31+$0xFFFFFF00];
	v10 =	vmul.f32 v11, v10;
	v8 =	vmul.f32 v13, v12  }
0x58: {  	v5 =	vld [tilespmem:s28+$0xFFFFFF00];
	v12 =	vmul.f32 v15, v14;
	v13 =	vmul.f32 v17, v16  }
0x59: {  	v47 =	vld [tilespmem:s28+$0xFFFFFFB0];
	v15 =	vmul.f32 v27, v26;
	v16 =	vmul.f32 v19, v18  }
0x5a: {  	v50 =	vld [tilespmem:s31+$0xFFFFFF20];
	v45 =	vmul.f32 v31, v30;
	v46 =	vmul.f32 v33, v32  }
0x5b: {  	v11 =	vld [tilespmem:s31+$0xFFFFFF10];
	v48 =	vmul.f32 v38, v37;
	v49 =	vmul.f32 v40, v39  }
0x5c: {  	v14 =	vld [tilespmem:s28+$0xFFFFFF10];
	v51 =	vmul.f32 v42, v41;
	v52 =	vmul.f32 v44, v43  }
0x5d: {  	v18 =	vadd.f32 $0.0e+00, v45;
	v19 =	vadd.f32 $0.0e+00, v46;
	v3 =	vmul.f32 v5, v3;
	v5 =	vld [tilespmem:s28+$0xFFFFFF20]  }
0x5e: {  	v53 =	vld [tilespmem:s31+$0xFFFFFF30];
	v28 =	vmul.f32 v29, v28;
	v27 =	vadd.f32 $0.0e+00, v48;
	v30 =	vadd.f32 $0.0e+00, v49  }
0x5f: {  	v54 =	vld [tilespmem:s28+$0xFFFFFF30];
	v35 =	vmul.f32 v36, v35;
	v32 =	vadd.f32 $0.0e+00, v51;
	v33 =	vadd.f32 $0.0e+00, v52  }
0x60: {  	v55 =	vld [tilespmem:s31+$0xFFFFFF50];
	v17 =	vmul.f32 v47, v63;
	v15 =	vadd.f32 v15, v27;
	v56 =	vadd.f32 v28, v30  }
0x61: {  	v57 =	vld [tilespmem:s28+$0xFFFFFF50];
	v58 =	vadd.f32 v35, v32;
	v18 =	vadd.f32 v13, v18;
	v11 =	vmul.f32 v14, v11  }
0x62: {  	v14 =	vld [tilespmem:s28+$0xFFFFFF40];
	v8 =	vadd.f32 v8, v15;
	v3 =	vadd.f32 $0.0e+00, v3;
	v5 =	vmul.f32 v5, v50  }
0x63: {  	v22 =	vmul.f32 v23, v22;
	v13 =	vld [tilespmem:s31+$0xFFFFFF70];
	v12 =	vadd.f32 v12, v56;
	v15 =	vadd.f32 v17, v33  }
0x64: {  	v59 =	vmul.f32 v25, v24;
	v11 =	vadd.f32 $0.0e+00, v11;
	v3 =	vadd.f32 v5, v3;
	v5 =	vld [tilespmem:s28+$0xFFFFFF70]  }
0x65: {  	v61 =	vld [tilespmem:s28+$0xD0];
	v60 =	vmul.f32 v54, v53;
	v2 =	vadd.f32 v2, v8;
	v4 =	vadd.f32 v4, v12  }
0x66: {  	v62 =	vmul.f32 v57, v55;
	v22 =	vadd.f32 v22, v58;
	v12 =	vld [tilespmem:s31+$0xD0];
	v15 =	vadd.f32 v59, v15  }
0x67: {  	v8 =	vld [tilespmem:s31+$0xF0];
	v11 =	vadd.f32 v60, v11;
	v14 =	vmul.f32 v14, v34;
	v2 =	vadd.f32 v4, v2  }
0x68: {  	s0 =	simm.s32 $0x402;
	v20 =	vmul.f32 v21, v20;
	v63 =	vadd.f32 v9, v22;
	v9 =	vld [tilespmem:s28+$0xF0];
	v10 =	vadd.f32 v10, v15  }
0x69: {  	v4 =	vld [tilespmem:s0+$0x1];
	v11 =	vadd.f32 v62, v11;
	(xrf2) =	vadd.scan.msk.f32 $0xffff, v2;
	v3 =	vadd.f32 v14, v3;
	v13 =	vmul.f32 v5, v13  }
0x6a: {  	v15 =	vmul.f32 v7, v6;
	v6 =	vld [tilespmem:s0+$0xFFFFFFFF];
	v14 =	vadd.f32 v10, v63;
	v10 =	vadd.f32 v16, v19  }
0x6b: {  	v7 =	vld [tilespmem:s0+$0xFFFFFFFE];
	v2 =	vadd.f32 v20, v3;
	v3 =	vadd.f32 v13, v11;
	v13 =	vmul.f32 v61, v12  }
0x6c: {  	s29 =	simm.f32 $0.0e+00;
	s30 =	simm.s32 $0x0;
	s3 =	simm.s32 $0x980;
	(xrf2) =	vadd.scan.msk.f32 $0xffff, v14;
	v5 =	vld [tilespmem:s0+$0x0];
	v11 =	vadd.f32 v15, v18;
	v12 =	vmul.f32 v1, v0  }
.LBB2_2:
0x6d: {  	v0 =	vld [tilespmem:s3+$0xE0];
	v2 =	vadd.f32 v3, v2;
	v3 =	vadd.f32 v13, v10;
	v8 =	vmul.f32 v9, v8;
	s28 =	sadd.s32 $0x200, s28  }
0x6e: {  	v1 =	vld [tilespmem:s28+$0xE0]  }
0x6f: {  	v10 =	vadd.f32 v12, v11;
	v9 =	vld [tilespmem:s3+$0x60];
	v3 =	vadd.f32 v8, v3;
	(xrf2) =	vadd.scan.msk.f32 $0xffff, v2  }
0x70: {  	v8 =	vld [tilespmem:s28+$0x60]  }
0x71: {  	v11 =	vld [tilespmem:s3+$0x70];
	v3 =	vadd.f32 v3, v10  }
0x72: {  	v10 =	vld [tilespmem:s28+$0x70]  }
0x73: {  	v2 =	vld [tilespmem:s3+$0xC0];
	v12, _, _ =	vpop (xrf2);
	(xrf2) =	vadd.scan.msk.f32 $0xffff, v3  }
0x74: {  	v3 =	vld [tilespmem:s28+$0xC0]  }
0x75: {  	v13 =	vld [tilespmem:s3+$0xFFFFFFE0]  }
0x76: {  	v14 =	vld [tilespmem:s28+$0xFFFFFFE0];
	v15, _, _ =	vpop (xrf2);
	(v2sf) =	vpush v4, $0x0  }
0x77: {  	v16 =	vld [tilespmem:s3+$0xFFFFFFF0];
	(v2sf) =	vpush v5, $0x0  }
0x78: {  	v17 =	vld [tilespmem:s28+$0xFFFFFFF0];
	(v2sf) =	vpush v6, $0x0  }
0x79: {  	v18 =	vld [tilespmem:s3+$0x40];
	v4, _, _ =	vpop (xrf2);
	(v2sf) =	vpush v7, $0x0  }
0x7a: {  	v7 =	vld [tilespmem:s28+$0x40];
	(v2sf) =	vpush v4, $0xF  }
0x7b: {  	v19 =	vld [tilespmem:s3+$0x50];
	(v2sf) =	vpush v12, $0xF  }
0x7c: {  	v12 =	vld [tilespmem:s28+$0x50];
	(v2sf) =	vpush v15, $0xF  }
0x7d: {  	v15 =	vld [tilespmem:s3+$0xA0];
	v4, _, _ =	vpop (xrf2)  }
0x7e: {  	v20 =	vld [tilespmem:s28+$0xA0];
	(v2sf) =	vpush v4, $0xF  }
0x7f: {  	v21 =	vld [tilespmem:s3+$0xB0]  }
0x80: {  	v22 =	vld [tilespmem:s28+$0xB0]  }
0x81: {  	v4 =	vld [tilespmem:s3+$0xFFFFFF60]  }
0x82: {  	v5 =	vld [tilespmem:s28+$0xFFFFFF60]  }
0x83: {  	v23 =	vld [tilespmem:s3+$0xFFFFFFC0]  }
0x84: {  	v24 =	vld [tilespmem:s28+$0xFFFFFFC0]  }
0x85: {  	v6 =	vld [tilespmem:s3+$0xFFFFFFD0];
	s12 =	spop (v2sf)  }
0x86: {  	v25 =	vld [tilespmem:s28+$0xFFFFFFD0];
	s17 =	spop (v2sf)  }
0x87: {  	v26 =	vld [tilespmem:s3+$0x20];
	s20 =	spop (v2sf)  }
0x88: {  	v27 =	vld [tilespmem:s28+$0x20];
	s21 =	spop (v2sf)  }
0x89: {  	v28 =	vld [tilespmem:s3+$0x30];
	s23 =	spop (v2sf)  }
0x8a: {  	v29 =	vld [tilespmem:s28+$0x30];
	s21 =	ssub.f32 s23, s21;
	s23 =	spop (v2sf)  }
0x8b: {  	v30 =	vld [tilespmem:s3+$0x80];
	s24 =	spop (v2sf)  }
0x8c: {  	v31 =	vld [tilespmem:s28+$0x80];
	s21 =	smul.f32 s21, s21;
	s20 =	ssub.f32 s24, s20  }
0x8d: {  	s17 =	ssub.f32 s23, s17;
	v32 =	vld [tilespmem:s3+$0x90];
	s23 =	spop (v2sf)  }
0x8e: {  	v33 =	vld [tilespmem:s28+$0x90];
	s21 =	sadd.f32 s21, s29;
	s20 =	smul.f32 s20, s20  }
0x8f: {  	s12 =	ssub.f32 s23, s12;
	v34 =	vld [tilespmem:s3+$0xFFFFFF40]  }
0x90: {  	s17 =	smul.f32 s17, s17;
	v35 =	vld [tilespmem:s3+$0xFFFFFFA0];
	s20 =	sadd.f32 s20, s21  }
0x91: {  	v36 =	vld [tilespmem:s28+$0xFFFFFFA0]  }
0x92: {  	s12 =	smul.f32 s12, s12;
	v37 =	vld [tilespmem:s3+$0x0];
	s17 =	sadd.f32 s17, s20  }
0x93: {  	v38 =	vld [tilespmem:s28+$0x0]  }
0x94: {  	v39 =	vld [tilespmem:s3+$0x10];
	s29 =	sadd.f32 s12, s17  }
0x95: {  	v40 =	vld [tilespmem:s28+$0x10]  }
0x96: {  	v41 =	vld [tilespmem:s3+$0xFFFFFF80]  }
0x97: {  	v42 =	vld [tilespmem:s28+$0xFFFFFF80]  }
0x98: {  	v43 =	vld [tilespmem:s3+$0xFFFFFF90]  }
0x99: {  	v8 =	vmul.f32 v8, v9;
	v44 =	vld [tilespmem:s28+$0xFFFFFF90]  }
0x9a: {  	v10 =	vmul.f32 v10, v11;
	v13 =	vmul.f32 v14, v13;
	v9 =	vld [tilespmem:s3+$0xFFFFFF00]  }
0x9b: {  	v14 =	vmul.f32 v17, v16;
	v7 =	vmul.f32 v7, v18;
	v11 =	vld [tilespmem:s28+$0xFFFFFF00]  }
0x9c: {  	v12 =	vmul.f32 v12, v19;
	v15 =	vmul.f32 v20, v15;
	v16 =	vld [tilespmem:s3+$0xFFFFFF10]  }
0x9d: {  	v19 =	vmul.f32 v22, v21;
	v18 =	vmul.f32 v27, v26;
	v17 =	vld [tilespmem:s28+$0xFFFFFF10]  }
0x9e: {  	v21 =	vmul.f32 v31, v30;
	v22 =	vmul.f32 v33, v32;
	v20 =	vld [tilespmem:s3+$0xFFFFFFB0]  }
0x9f: {  	v27 =	vmul.f32 v38, v37;
	v30 =	vmul.f32 v40, v39;
	v26 =	vld [tilespmem:s28+$0xFFFFFFB0]  }
0xa0: {  	v32 =	vmul.f32 v42, v41;
	v33 =	vmul.f32 v44, v43;
	v31 =	vld [tilespmem:s3+$0xFFFFFF20]  }
0xa1: {  	v21 =	vadd.f32 $0.0e+00, v21;
	v22 =	vadd.f32 $0.0e+00, v22;
	v9 =	vmul.f32 v11, v9;
	v11 =	vld [tilespmem:s28+$0xFFFFFF20]  }
0xa2: {  	s30 =	sadd.s32 $0x4, s30;
	v27 =	vadd.f32 $0.0e+00, v27;
	v30 =	vadd.f32 $0.0e+00, v30;
	v16 =	vmul.f32 v17, v16;
	v17 =	vld [tilespmem:s28+$0xFFFFFF40]  }
0xa3: {  	p0 =	slt.u32 s30, $0x7C;
	v28 =	vmul.f32 v29, v28;
	v32 =	vadd.f32 $0.0e+00, v32;
	v33 =	vadd.f32 $0.0e+00, v33;
	v37 =	vld [tilespmem:s3+$0xFFFFFF30]  }
0xa4: {  	v35 =	vmul.f32 v36, v35;
	v9 =	vadd.f32 $0.0e+00, v9;
	v16 =	vadd.f32 $0.0e+00, v16;
	v29 =	vld [tilespmem:s28+$0xFFFFFF30]  }
0xa5: {  	v18 =	vadd.f32 v18, v27;
	v20 =	vmul.f32 v26, v20;
	v26 =	vadd.f32 v28, v30;
	v36 =	vld [tilespmem:s3+$0xFFFFFF50]  }
0xa6: {  	v15 =	vadd.f32 v15, v21;
	v28 =	vadd.f32 v35, v32;
	v11 =	vmul.f32 v11, v31;
	v27 =	vld [tilespmem:s28+$0xFFFFFF50]  }
0xa7: {  	v23 =	vmul.f32 v24, v23;
	v7 =	vadd.f32 v7, v18;
	v12 =	vadd.f32 v12, v26;
	v21 =	vld [tilespmem:s3+$0xFFFFFF70]  }
0xa8: {  	v6 =	vmul.f32 v25, v6;
	v11 =	vadd.f32 v11, v9;
	v18 =	vld [tilespmem:s28+$0xFFFFFF70];
	v9 =	vadd.f32 v20, v33  }
0xa9: {  	v7 =	vadd.f32 v8, v7;
	v8 =	vadd.f32 v10, v12;
	v20 =	vmul.f32 v29, v37;
	v12 =	vld [tilespmem:s3+$0xD0]  }
0xaa: {  	v10 =	vmul.f32 v17, v34;
	v17 =	vadd.f32 v23, v28;
	v6 =	vadd.f32 v6, v9;
	v23 =	vld [tilespmem:s28+$0xD0]  }
0xab: {  	v7 =	vadd.f32 v8, v7;
	v16 =	vadd.f32 v20, v16;
	v20 =	vmul.f32 v27, v36;
	v8 =	vld [tilespmem:s3+$0xF0]  }
.Ltmp0:
0xac: {  	s0 =	sadd.s32 $0x4, s0;
	v24 =	vmul.f32 v5, v4;
	v5 =	vadd.f32 v13, v17;
	v6 =	vadd.f32 v14, v6;
	v9 =	vld [tilespmem:s28+$0xF0];
	(pc) =	sbr.rel @p0 .LBB2_2-.Ltmp0, $4  }
0xad: {  	v11 =	vadd.f32 v10, v11;
	v13 =	vadd.f32 v20, v16;
	v14 =	vmul.f32 v18, v21;
	v4 =	vld [tilespmem:s0+$0x1];
	(xrf2) =	vadd.scan.msk.f32 $0xffff, v7  }
0xae: {  	v10 =	vadd.f32 v19, v22;
	v17 =	vmul.f32 v3, v2;
	v16 =	vadd.f32 v6, v5;
	v5 =	vld [tilespmem:s0+$0x0]  }
0xaf: {  	v2 =	vadd.f32 v24, v11;
	v3 =	vadd.f32 v14, v13;
	v6 =	vld [tilespmem:s0+$0xFFFFFFFF];
	v13 =	vmul.f32 v23, v12  }
0xb0: {  	s3 =	sadd.s32 $0x200, s3;
	v11 =	vadd.f32 v17, v15;
	v12 =	vmul.f32 v1, v0;
	v7 =	vld [tilespmem:s0+$0xFFFFFFFE];
	(xrf2) =	vadd.scan.msk.f32 $0xffff, v16  }
0xb1: {  	v0 =	vadd.f32 v3, v2;
	v1 =	vadd.f32 v13, v10;
	v2 =	vmul.f32 v9, v8;
	_ =	sdelay $0x1  }
0xb2: {  	v3 =	vadd.f32 v12, v11;
	v1 =	vadd.f32 v2, v1  }
0xb3: {  	(xrf2) =	vadd.scan.msk.f32 $0xffff, v0  }
0xb4: {  	v0 =	vadd.f32 v1, v3;
	_ =	sdelay $0x1  }
0xb5: {  	(xrf2) =	vadd.scan.msk.f32 $0xffff, v0;
	_ =	sdelay $0x3  }
0xb6: {  	(v2sf) =	vpush v4, $0x0  }
0xb7: {  	(v2sf) =	vpush v5, $0x0;
	v0, _, _ =	vpop (xrf2)  }
0xb8: {  	(v2sf) =	vpush v6, $0x0;
	v1, _, _ =	vpop (xrf2)  }
0xb9: {  	(v2sf) =	vpush v7, $0x0;
	v2, _, _ =	vpop (xrf2)  }
0xba: {  	(v2sf) =	vpush v2, $0xF  }
0xbb: {  	(v2sf) =	vpush v0, $0xF  }
0xbc: {  	(v2sf) =	vpush v1, $0xF;
	v0, _, _ =	vpop (xrf2)  }
0xbd: {  	(v2sf) =	vpush v0, $0xF;
	_ =	sdelay $0x3  }
0xbe: {  	s0 =	simm.s32 $0x100  }
0xbf: {  	[tilespmem:s14], [sflag:$0x1] =	stream.indirect.gather [hbm4b:s1+s13], $0x80, s0, s13, $0xb8;
	[tilespmem:$0x10700] =	vst v63  }
0xc0: {  	s31 =	simm.s32 $0x300  }
0xc1: {  	[tilespmem:s15], [sflag:$0x1] =	stream.indirect.gather [hbm4b:s2+s13], $0x80, s31, s13, $0xb8;
	[tilespmem:$0x10700] =	vst v63  }
0xc2: {  	s3 =	spop (v2sf)  }
0xc3: {  	s17 =	spop (v2sf)  }
0xc4: {  	s21 =	spop (v2sf)  }
0xc5: {  	s23 =	spop (v2sf)  }
0xc6: {  	s24 =	spop (v2sf)  }
0xc7: {  	s20 =	spop (v2sf)  }
0xc8: {  	s28 =	spop (v2sf)  }
0xc9: {  	s12 =	spop (v2sf)  }
0xca: {  	_ =	swait.ge [sflag:s22], $0x4000  }
0xcb: {  	[sflag:s22] =	ssyncset.done $0x0  }
0xcc: {  	[sflag:s22] =	ssyncadd.s32 $0xFFFFC000  }
0xcd: {  	_ =	swait.ge [sflag:s22], $0x4000  }
0xce: {  	[sflag:s22] =	ssyncset.done $0x0  }
0xcf: {  	s11 =	simm.s32 $0x0;
	[sflag:s22] =	ssyncadd.s32 $0xFFFFC000  }
0xd0: {  	v0 =	vld [tilespmem:s11+$0x4860]  }
0xd1: {  	v1 =	vld [tilespmem:s11+$0xC860]  }
0xd2: {  	v3 =	vld [tilespmem:s11+$0x47E0]  }
0xd3: {  	v4 =	vld [tilespmem:s11+$0xC7E0]  }
0xd4: {  	v5 =	vld [tilespmem:s11+$0x47F0]  }
0xd5: {  	v6 =	vld [tilespmem:s11+$0xC7F0]  }
0xd6: {  	v2 =	vld [tilespmem:s11+$0x4840]  }
0xd7: {  	v12 =	vld [tilespmem:s11+$0xC840]  }
0xd8: {  	v7 =	vld [tilespmem:s11+$0x4760]  }
0xd9: {  	v8 =	vld [tilespmem:s11+$0xC760]  }
0xda: {  	v9 =	vld [tilespmem:s11+$0x4770]  }
0xdb: {  	v10 =	vld [tilespmem:s11+$0xC770]  }
0xdc: {  	v11 =	vld [tilespmem:s11+$0x47C0]  }
0xdd: {  	v13 =	vld [tilespmem:s11+$0xC7C0]  }
0xde: {  	v14 =	vld [tilespmem:s11+$0x47D0]  }
0xdf: {  	v15 =	vld [tilespmem:s11+$0xC7D0]  }
0xe0: {  	v16 =	vld [tilespmem:s11+$0x4820]  }
0xe1: {  	v17 =	vld [tilespmem:s11+$0xC820]  }
0xe2: {  	v18 =	vld [tilespmem:s11+$0x4830]  }
0xe3: {  	v19 =	vld [tilespmem:s11+$0xC830]  }
0xe4: {  	v20 =	vld [tilespmem:s11+$0x46E0]  }
0xe5: {  	v21 =	vld [tilespmem:s11+$0xC6E0]  }
0xe6: {  	v22 =	vld [tilespmem:s11+$0x4740]  }
0xe7: {  	v23 =	vld [tilespmem:s11+$0xC740]  }
0xe8: {  	v24 =	vld [tilespmem:s11+$0x4750]  }
0xe9: {  	v25 =	vld [tilespmem:s11+$0xC750]  }
0xea: {  	v26 =	vld [tilespmem:s11+$0x47A0]  }
0xeb: {  	v27 =	vld [tilespmem:s11+$0xC7A0]  }
0xec: {  	v28 =	vld [tilespmem:s11+$0x47B0]  }
0xed: {  	v29 =	vld [tilespmem:s11+$0xC7B0]  }
0xee: {  	v30 =	vld [tilespmem:s11+$0x4800]  }
0xef: {  	v31 =	vld [tilespmem:s11+$0xC800]  }
0xf0: {  	v32 =	vld [tilespmem:s11+$0x4810]  }
0xf1: {  	v33 =	vld [tilespmem:s11+$0xC810]  }
0xf2: {  	v34 =	vld [tilespmem:s11+$0x46C0]  }
0xf3: {  	v35 =	vld [tilespmem:s11+$0x4720]  }
0xf4: {  	v37 =	vld [tilespmem:s11+$0x4780]  }
0xf5: {  	v38 =	vld [tilespmem:s11+$0xC780]  }
0xf6: {  	v39 =	vld [tilespmem:s11+$0x4790]  }
0xf7: {  	v40 =	vld [tilespmem:s11+$0xC790]  }
0xf8: {  	v41 =	vld [tilespmem:s11+$0x4700]  }
0xf9: {  	v42 =	vld [tilespmem:s11+$0xC700]  }
0xfa: {  	v43 =	vld [tilespmem:s11+$0x4710]  }
0xfb: {  	v44 =	vld [tilespmem:s11+$0xC710]  }
0xfc: {  	v60 =	vld [tilespmem:s11+$0x4730];
	v3 =	vmul.f32 v4, v3;
	v45 =	vmul.f32 v8, v7  }
0xfd: {  	v63 =	vld [tilespmem:s11+$0xC730];
	v5 =	vmul.f32 v6, v5;
	v9 =	vmul.f32 v10, v9  }
0xfe: {  	v4 =	vld [tilespmem:s11+$0x4680];
	v8 =	vmul.f32 v13, v11;
	v10 =	vmul.f32 v15, v14  }
0xff: {  	v6 =	vld [tilespmem:s11+$0xC680];
	v11 =	vmul.f32 v17, v16;
	v14 =	vmul.f32 v27, v26  }
0x100: {  	v7 =	vld [tilespmem:s11+$0x4690];
	v15 =	vmul.f32 v19, v18;
	v61 =	vmul.f32 v31, v30  }
0x101: {  	v13 =	vld [tilespmem:s11+$0xC690];
	v62 =	vmul.f32 v33, v32;
	v38 =	vmul.f32 v38, v37  }
0x102: {  	v36 =	vld [tilespmem:s11+$0xC720];
	v40 =	vmul.f32 v40, v39;
	v47 =	vmul.f32 v42, v41  }
0x103: {  	v46 =	vld [tilespmem:s11+$0x46A0];
	v48 =	vmul.f32 v44, v43;
	v28 =	vmul.f32 v29, v28;
	v26 =	vadd.f32 $0.0e+00, v38  }
0x104: {  	v17 =	vadd.f32 $0.0e+00, v61;
	v27 =	vadd.f32 $0.0e+00, v40;
	v4 =	vmul.f32 v6, v4;
	v6 =	vld [tilespmem:s11+$0xC6A0]  }
0x105: {  	v49 =	vld [tilespmem:s11+$0x46B0];
	v16 =	vmul.f32 v63, v60;
	v18 =	vadd.f32 $0.0e+00, v62;
	v14 =	vadd.f32 v14, v26  }
0x106: {  	v51 =	vld [tilespmem:s11+$0xC6B0];
	v31 =	vadd.f32 $0.0e+00, v47;
	v53 =	vadd.f32 v28, v27;
	v7 =	vmul.f32 v13, v7  }
0x107: {  	v52 =	vld [tilespmem:s11+$0x46D0];
	v56 =	vmul.f32 v23, v22;
	v32 =	vadd.f32 $0.0e+00, v48;
	v8 =	vadd.f32 v8, v14  }
0x108: {  	s23 =	ssub.f32 s24, s23;
	v13 =	vld [tilespmem:s11+$0xC6C0];
	v10 =	vadd.f32 v10, v53;
	v50 =	vadd.f32 $0.0e+00, v7;
	v7 =	vmul.f32 v36, v35  }
0x109: {  	v54 =	vld [tilespmem:s11+$0xC6D0];
	v14 =	vadd.f32 v16, v32;
	v4 =	vadd.f32 $0.0e+00, v4;
	v6 =	vmul.f32 v6, v46  }
0x10a: {  	s21 =	ssub.f32 s28, s21;
	s23 =	smul.f32 s23, s23;
	v57 =	vmul.f32 v25, v24;
	v55 =	vadd.f32 v7, v31;
	v7 =	vadd.f32 v11, v17;
	v11 =	vld [tilespmem:s11+$0x46F0]  }
0x10b: {  	s17 =	ssub.f32 s20, s17;
	v58 =	vmul.f32 v51, v49;
	v3 =	vadd.f32 v3, v8;
	v4 =	vadd.f32 v6, v4;
	v6 =	vld [tilespmem:s11+$0xC6F0]  }
0x10c: {  	s25 =	sadd.f32 s23, s29;
	s21 =	smul.f32 s21, s21;
	v59 =	vld [tilespmem:s11+$0x4850];
	v5 =	vadd.f32 v5, v10;
	v14 =	vadd.f32 v57, v14  }
0x10d: {  	s3 =	ssub.f32 s12, s3;
	v60 =	vld [tilespmem:s11+$0xC850];
	v61 =	vadd.f32 v58, v50;
	v10 =	vmul.f32 v13, v34;
	v13 =	vadd.f32 v56, v55  }
0x10e: {  	s17 =	smul.f32 s17, s17;
	s31 =	sadd.f32 s21, s25;
	v62 =	vmul.f32 v54, v52;
	v8 =	vld [tilespmem:s11+$0x4870];
	v63 =	vadd.f32 v5, v3;
	v5 =	vadd.f32 v9, v14  }
0x10f: {  	s30 =	simm.s32 $0x483;
	v20 =	vmul.f32 v21, v20;
	v9 =	vld [tilespmem:s11+$0xC870];
	v3 =	vadd.f32 v45, v13;
	v13 =	vadd.f32 v10, v4  }
0x110: {  	s3 =	smul.f32 s3, s3;
	s12 =	sadd.f32 s17, s31;
	v14 =	vadd.f32 v62, v61;
	(xrf2) =	vadd.scan.msk.f32 $0xffff, v63;
	v4 =	vld [tilespmem:s30+$0x0];
	v6 =	vmul.f32 v6, v11  }
0x111: {  	s0 =	simm.s32 $0x0;
	v10 =	vadd.f32 v5, v3;
	v5 =	vld [tilespmem:s30+$0xFFFFFFFF];
	v3 =	vmul.f32 v12, v2;
	v2 =	vadd.f32 v20, v13  }
0x112: {  	s29 =	simm.f32 $0.0e+00;
	s28 =	sadd.f32 s3, s12;
	s3 =	simm.s32 $0x800;
	v13 =	vmul.f32 v60, v59;
	v11 =	vadd.f32 v15, v18;
	v12 =	vadd.f32 v6, v14;
	v6 =	vld [tilespmem:s30+$0xFFFFFFFE]  }
.LBB2_4:
0x113: {  	s12 =	sshra.s32 s3, $0x2;
	v14 =	vld [tilespmem:s30+$0xFFFFFFFD];
	v3 =	vadd.f32 v3, v7;
	v7 =	vmul.f32 v1, v0;
	(xrf2) =	vadd.scan.msk.f32 $0xffff, v10  }
0x114: {  	v0 =	vld [tilespmem:s12+$0x4860];
	v2 =	vadd.f32 v12, v2;
	v10 =	vadd.f32 v13, v11;
	v8 =	vmul.f32 v9, v8  }
0x115: {  	v1 =	vld [tilespmem:s12+$0xC860]  }
0x116: {  	v3 =	vadd.f32 v7, v3;
	v9 =	vld [tilespmem:s12+$0x47E0];
	v7 =	vadd.f32 v8, v10;
	(xrf2) =	vadd.scan.msk.f32 $0xffff, v2  }
0x117: {  	v8 =	vld [tilespmem:s12+$0xC7E0]  }
0x118: {  	v10 =	vld [tilespmem:s12+$0x47F0];
	v3 =	vadd.f32 v7, v3  }
0x119: {  	v7 =	vld [tilespmem:s12+$0xC7F0]  }
0x11a: {  	v2 =	vld [tilespmem:s12+$0x4840];
	v11, _, _ =	vpop (xrf2);
	(xrf2) =	vadd.scan.msk.f32 $0xffff, v3  }
0x11b: {  	v3 =	vld [tilespmem:s12+$0xC840]  }
0x11c: {  	v12 =	vld [tilespmem:s12+$0x4760]  }
0x11d: {  	v13 =	vld [tilespmem:s12+$0xC760];
	v15, _, _ =	vpop (xrf2);
	(v2sf) =	vpush v4, $0x0  }
0x11e: {  	v16 =	vld [tilespmem:s12+$0x4770];
	(v2sf) =	vpush v5, $0x0  }
0x11f: {  	v17 =	vld [tilespmem:s12+$0xC770];
	(v2sf) =	vpush v6, $0x0  }
0x120: {  	v18 =	vld [tilespmem:s12+$0x47C0];
	v4, _, _ =	vpop (xrf2);
	(v2sf) =	vpush v14, $0x0  }
0x121: {  	v14 =	vld [tilespmem:s12+$0xC7C0];
	(v2sf) =	vpush v4, $0xF  }
0x122: {  	v19 =	vld [tilespmem:s12+$0x47D0];
	(v2sf) =	vpush v11, $0xF  }
0x123: {  	v11 =	vld [tilespmem:s12+$0xC7D0];
	(v2sf) =	vpush v15, $0xF  }
0x124: {  	v15 =	vld [tilespmem:s12+$0x4820];
	v4, _, _ =	vpop (xrf2)  }
0x125: {  	v20 =	vld [tilespmem:s12+$0xC820];
	(v2sf) =	vpush v4, $0xF  }
0x126: {  	v21 =	vld [tilespmem:s12+$0x4830]  }
0x127: {  	v22 =	vld [tilespmem:s12+$0xC830]  }
0x128: {  	v4 =	vld [tilespmem:s12+$0x46E0]  }
0x129: {  	v5 =	vld [tilespmem:s12+$0xC6E0]  }
0x12a: {  	v23 =	vld [tilespmem:s12+$0x4740]  }
0x12b: {  	v24 =	vld [tilespmem:s12+$0xC740]  }
0x12c: {  	v6 =	vld [tilespmem:s12+$0x4750];
	s17 =	spop (v2sf)  }
0x12d: {  	v25 =	vld [tilespmem:s12+$0xC750];
	s20 =	spop (v2sf)  }
0x12e: {  	v26 =	vld [tilespmem:s12+$0x47A0];
	s21 =	spop (v2sf)  }
0x12f: {  	v27 =	vld [tilespmem:s12+$0xC7A0];
	s23 =	spop (v2sf)  }
0x130: {  	v28 =	vld [tilespmem:s12+$0x47B0];
	s24 =	spop (v2sf)  }
0x131: {  	v29 =	vld [tilespmem:s12+$0xC7B0];
	s23 =	ssub.f32 s24, s23;
	s24 =	spop (v2sf)  }
0x132: {  	v30 =	vld [tilespmem:s12+$0x4800];
	s31 =	spop (v2sf)  }
0x133: {  	v31 =	vld [tilespmem:s12+$0xC800];
	s23 =	smul.f32 s23, s23;
	s21 =	ssub.f32 s31, s21  }
0x134: {  	s20 =	ssub.f32 s24, s20;
	v32 =	vld [tilespmem:s12+$0x4810];
	s24 =	spop (v2sf)  }
0x135: {  	v33 =	vld [tilespmem:s12+$0xC810];
	s23 =	sadd.f32 s23, s29;
	s21 =	smul.f32 s21, s21  }
0x136: {  	s17 =	ssub.f32 s24, s17;
	v34 =	vld [tilespmem:s12+$0x46C0]  }
0x137: {  	s20 =	smul.f32 s20, s20;
	v35 =	vld [tilespmem:s12+$0x4720];
	s21 =	sadd.f32 s21, s23  }
0x138: {  	v36 =	vld [tilespmem:s12+$0xC720]  }
0x139: {  	s17 =	smul.f32 s17, s17;
	v37 =	vld [tilespmem:s12+$0x4780];
	s20 =	sadd.f32 s20, s21  }
0x13a: {  	v38 =	vld [tilespmem:s12+$0xC780]  }
0x13b: {  	v39 =	vld [tilespmem:s12+$0x4790];
	s29 =	sadd.f32 s17, s20  }
0x13c: {  	v40 =	vld [tilespmem:s12+$0xC790]  }
0x13d: {  	v41 =	vld [tilespmem:s12+$0x4700]  }
0x13e: {  	v42 =	vld [tilespmem:s12+$0xC700]  }
0x13f: {  	v43 =	vld [tilespmem:s12+$0x4710]  }
0x140: {  	v8 =	vmul.f32 v8, v9;
	v44 =	vld [tilespmem:s12+$0xC710]  }
0x141: {  	v10 =	vmul.f32 v7, v10;
	v12 =	vmul.f32 v13, v12;
	v9 =	vld [tilespmem:s12+$0x4680]  }
0x142: {  	v13 =	vmul.f32 v17, v16;
	v14 =	vmul.f32 v14, v18;
	v7 =	vld [tilespmem:s12+$0xC680]  }
0x143: {  	v11 =	vmul.f32 v11, v19;
	v15 =	vmul.f32 v20, v15;
	v16 =	vld [tilespmem:s12+$0x4690]  }
0x144: {  	v19 =	vmul.f32 v22, v21;
	v18 =	vmul.f32 v27, v26;
	v17 =	vld [tilespmem:s12+$0xC690]  }
0x145: {  	v21 =	vmul.f32 v31, v30;
	v22 =	vmul.f32 v33, v32;
	v20 =	vld [tilespmem:s12+$0x4730]  }
0x146: {  	v27 =	vmul.f32 v38, v37;
	v30 =	vmul.f32 v40, v39;
	v26 =	vld [tilespmem:s12+$0xC730]  }
0x147: {  	v32 =	vmul.f32 v42, v41;
	v33 =	vmul.f32 v44, v43;
	v31 =	vld [tilespmem:s12+$0x46A0]  }
0x148: {  	s0 =	sadd.s32 $0x4, s0;
	v21 =	vadd.f32 $0.0e+00, v21;
	v22 =	vadd.f32 $0.0e+00, v22;
	v7 =	vmul.f32 v7, v9;
	v9 =	vld [tilespmem:s12+$0xC6A0]  }
0x149: {  	p0 =	slt.u32 s0, $0x7C;
	v27 =	vadd.f32 $0.0e+00, v27;
	v30 =	vadd.f32 $0.0e+00, v30;
	v16 =	vmul.f32 v17, v16;
	v17 =	vld [tilespmem:s12+$0xC6C0]  }
0x14a: {  	v28 =	vmul.f32 v29, v28;
	v32 =	vadd.f32 $0.0e+00, v32;
	v33 =	vadd.f32 $0.0e+00, v33;
	v37 =	vld [tilespmem:s12+$0x46B0]  }
0x14b: {  	v29 =	vadd.f32 $0.0e+00, v7;
	v7 =	vmul.f32 v36, v35;
	v16 =	vadd.f32 $0.0e+00, v16;
	v38 =	vld [tilespmem:s12+$0xC6B0]  }
0x14c: {  	v18 =	vadd.f32 v18, v27;
	v20 =	vmul.f32 v26, v20;
	v26 =	vadd.f32 v28, v30;
	v35 =	vld [tilespmem:s12+$0x46D0]  }
0x14d: {  	v28 =	vadd.f32 v7, v32;
	v7 =	vadd.f32 v15, v21;
	v9 =	vmul.f32 v9, v31;
	v27 =	vld [tilespmem:s12+$0xC6D0]  }
0x14e: {  	v14 =	vadd.f32 v14, v18;
	v21 =	vmul.f32 v24, v23;
	v11 =	vadd.f32 v11, v26;
	v15 =	vld [tilespmem:s12+$0x46F0]  }
0x14f: {  	v6 =	vmul.f32 v25, v6;
	v18 =	vadd.f32 v9, v29;
	v23 =	vld [tilespmem:s12+$0xC6F0];
	v9 =	vadd.f32 v20, v33  }
0x150: {  	v8 =	vadd.f32 v8, v14;
	v10 =	vadd.f32 v10, v11;
	v20 =	vmul.f32 v38, v37;
	v14 =	vld [tilespmem:s12+$0x4850]  }
0x151: {  	v11 =	vmul.f32 v17, v34;
	v17 =	vadd.f32 v21, v28;
	v6 =	vadd.f32 v6, v9;
	v21 =	vld [tilespmem:s12+$0xC850]  }
.Ltmp1:
0x152: {  	v10 =	vadd.f32 v10, v8;
	v16 =	vadd.f32 v20, v16;
	v20 =	vmul.f32 v27, v35;
	v8 =	vld [tilespmem:s12+$0x4870];
	(pc) =	sbr.rel @p0 .LBB2_4-.Ltmp1, $4  }
0x153: {  	s30 =	sadd.s32 $0x4, s30;
	v24 =	vmul.f32 v5, v4;
	v5 =	vadd.f32 v12, v17;
	v6 =	vadd.f32 v13, v6;
	v9 =	vld [tilespmem:s12+$0xC870]  }
0x154: {  	v12 =	vadd.f32 v11, v18;
	v13 =	vadd.f32 v20, v16;
	v15 =	vmul.f32 v23, v15;
	v4 =	vld [tilespmem:s30+$0x0];
	(xrf2) =	vadd.scan.msk.f32 $0xffff, v10  }
0x155: {  	v3 =	vmul.f32 v3, v2;
	v11 =	vadd.f32 v19, v22;
	v10 =	vadd.f32 v6, v5;
	v5 =	vld [tilespmem:s30+$0xFFFFFFFF]  }
0x156: {  	s3 =	sadd.s32 $0x800, s3;
	v2 =	vadd.f32 v24, v12;
	v12 =	vadd.f32 v15, v13;
	v6 =	vld [tilespmem:s30+$0xFFFFFFFE];
	v13 =	vmul.f32 v21, v14  }
0x157: {  	v3 =	vadd.f32 v3, v7;
	v0 =	vmul.f32 v1, v0  }
0x158: {  	v1 =	vadd.f32 v12, v2;
	v2 =	vadd.f32 v13, v11;
	v7 =	vmul.f32 v9, v8;
	_ =	sdelay $0x1  }
0x159: {  	(xrf2) =	vadd.scan.msk.f32 $0xffff, v10;
	v0 =	vadd.f32 v0, v3;
	v2 =	vadd.f32 v7, v2  }
0x15a: {  	(xrf2) =	vadd.scan.msk.f32 $0xffff, v1  }
0x15b: {  	v0 =	vadd.f32 v2, v0;
	_ =	sdelay $0x1  }
0x15c: {  	(xrf2) =	vadd.scan.msk.f32 $0xffff, v0;
	_ =	sdelay $0x1  }
0x15d: {  	v0 =	vld [tilespmem:s30+$0xFFFFFFFD];
	_ =	sdelay $0x1  }
0x15e: {  	(v2sf) =	vpush v4, $0x0  }
0x15f: {  	(v2sf) =	vpush v5, $0x0;
	v1, _, _ =	vpop (xrf2)  }
0x160: {  	(v2sf) =	vpush v6, $0x0;
	v2, _, _ =	vpop (xrf2)  }
0x161: {  	(v2sf) =	vpush v0, $0x0;
	v3, _, _ =	vpop (xrf2)  }
0x162: {  	(v2sf) =	vpush v3, $0xF  }
0x163: {  	(v2sf) =	vpush v1, $0xF  }
0x164: {  	(v2sf) =	vpush v2, $0xF;
	v0, _, _ =	vpop (xrf2)  }
0x165: {  	(v2sf) =	vpush v0, $0xF;
	_ =	sdelay $0x3  }
0x166: {  	s3 =	simm.s32 $0x180  }
0x167: {  	[tilespmem:s16], [sflag:$0x2] =	stream.indirect.gather [hbm4b:s1+s13], $0x80, s3, s13, $0xb8;
	[tilespmem:$0x10700] =	vst v63  }
0x168: {  	s25 =	simm.s32 $0x380  }
0x169: {  	[tilespmem:s18], [sflag:$0x2] =	stream.indirect.gather [hbm4b:s2+s13], $0x80, s25, s13, $0xb8;
	[tilespmem:$0x10700] =	vst v63  }
0x16a: {  	s0 =	spop (v2sf)  }
0x16b: {  	s17 =	spop (v2sf)  }
0x16c: {  	s20 =	spop (v2sf)  }
0x16d: {  	s23 =	spop (v2sf)  }
0x16e: {  	s24 =	spop (v2sf)  }
0x16f: {  	s31 =	spop (v2sf)  }
0x170: {  	s21 =	spop (v2sf)  }
0x171: {  	s12 =	spop (v2sf)  }
0x172: {  	_ =	swait.ge [sflag:s19], $0x4000  }
0x173: {  	[sflag:s19] =	ssyncset.done $0x0  }
0x174: {  	[sflag:s19] =	ssyncadd.s32 $0xFFFFC000  }
0x175: {  	_ =	swait.ge [sflag:s19], $0x4000  }
0x176: {  	[sflag:s19] =	ssyncset.done $0x0  }
0x177: {  	s11 =	simm.s32 $0x780;
	[sflag:s19] =	ssyncadd.s32 $0xFFFFC000  }
0x178: {  	s30 =	simm.s32 $0x8780;
	v0 =	vld [tilespmem:s11+$0xE0]  }
0x179: {  	v1 =	vld [tilespmem:s30+$0xE0]  }
0x17a: {  	v2 =	vld [tilespmem:s11+$0x60]  }
0x17b: {  	v3 =	vld [tilespmem:s30+$0x60]  }
0x17c: {  	v4 =	vld [tilespmem:s11+$0x70]  }
0x17d: {  	v5 =	vld [tilespmem:s30+$0x70]  }
0x17e: {  	v6 =	vld [tilespmem:s11+$0xC0]  }
0x17f: {  	v7 =	vld [tilespmem:s30+$0xC0]  }
0x180: {  	v8 =	vld [tilespmem:s11+$0xFFFFFFE0]  }
0x181: {  	v9 =	vld [tilespmem:s30+$0xFFFFFFE0]  }
0x182: {  	v10 =	vld [tilespmem:s11+$0xFFFFFFF0]  }
0x183: {  	v11 =	vld [tilespmem:s30+$0xFFFFFFF0]  }
0x184: {  	v12 =	vld [tilespmem:s11+$0x40]  }
0x185: {  	v13 =	vld [tilespmem:s30+$0x40]  }
0x186: {  	v14 =	vld [tilespmem:s11+$0x50]  }
0x187: {  	v15 =	vld [tilespmem:s30+$0x50]  }
0x188: {  	v16 =	vld [tilespmem:s11+$0xA0]  }
0x189: {  	v17 =	vld [tilespmem:s30+$0xA0]  }
0x18a: {  	v18 =	vld [tilespmem:s11+$0xB0]  }
0x18b: {  	v19 =	vld [tilespmem:s30+$0xB0]  }
0x18c: {  	v20 =	vld [tilespmem:s11+$0xFFFFFF60]  }
0x18d: {  	v21 =	vld [tilespmem:s30+$0xFFFFFF60]  }
0x18e: {  	v22 =	vld [tilespmem:s11+$0xFFFFFFC0]  }
0x18f: {  	v23 =	vld [tilespmem:s30+$0xFFFFFFC0]  }
0x190: {  	v24 =	vld [tilespmem:s11+$0xFFFFFFD0]  }
0x191: {  	v25 =	vld [tilespmem:s30+$0xFFFFFFD0]  }
0x192: {  	v26 =	vld [tilespmem:s11+$0x20]  }
0x193: {  	v27 =	vld [tilespmem:s30+$0x20]  }
0x194: {  	v28 =	vld [tilespmem:s11+$0x30]  }
0x195: {  	v29 =	vld [tilespmem:s30+$0x30]  }
0x196: {  	v30 =	vld [tilespmem:s11+$0x80]  }
0x197: {  	v31 =	vld [tilespmem:s30+$0x80]  }
0x198: {  	v32 =	vld [tilespmem:s11+$0x90]  }
0x199: {  	v33 =	vld [tilespmem:s30+$0x90]  }
0x19a: {  	v34 =	vld [tilespmem:s11+$0xFFFFFF40]  }
0x19b: {  	v35 =	vld [tilespmem:s11+$0xFFFFFFA0]  }
0x19c: {  	v36 =	vld [tilespmem:s30+$0xFFFFFFA0]  }
0x19d: {  	v37 =	vld [tilespmem:s11+$0x0]  }
0x19e: {  	v38 =	vld [tilespmem:s30+$0x0]  }
0x19f: {  	v39 =	vld [tilespmem:s11+$0x10]  }
0x1a0: {  	v40 =	vld [tilespmem:s30+$0x10]  }
0x1a1: {  	v41 =	vld [tilespmem:s11+$0xFFFFFF80]  }
0x1a2: {  	v42 =	vld [tilespmem:s30+$0xFFFFFF80]  }
0x1a3: {  	v43 =	vld [tilespmem:s11+$0xFFFFFF90]  }
0x1a4: {  	v44 =	vld [tilespmem:s30+$0xFFFFFF90];
	v2 =	vmul.f32 v3, v2  }
0x1a5: {  	v63 =	vld [tilespmem:s11+$0xFFFFFFB0];
	v9 =	vmul.f32 v9, v8;
	v4 =	vmul.f32 v5, v4  }
0x1a6: {  	v3 =	vld [tilespmem:s11+$0xFFFFFF00];
	v10 =	vmul.f32 v11, v10;
	v8 =	vmul.f32 v13, v12  }
0x1a7: {  	v5 =	vld [tilespmem:s30+$0xFFFFFF00];
	v12 =	vmul.f32 v15, v14;
	v13 =	vmul.f32 v17, v16  }
0x1a8: {  	v47 =	vld [tilespmem:s30+$0xFFFFFFB0];
	v15 =	vmul.f32 v27, v26;
	v16 =	vmul.f32 v19, v18  }
0x1a9: {  	v50 =	vld [tilespmem:s11+$0xFFFFFF20];
	v45 =	vmul.f32 v31, v30;
	v46 =	vmul.f32 v33, v32  }
0x1aa: {  	v11 =	vld [tilespmem:s11+$0xFFFFFF10];
	v48 =	vmul.f32 v38, v37;
	v49 =	vmul.f32 v40, v39  }
0x1ab: {  	v14 =	vld [tilespmem:s30+$0xFFFFFF10];
	v51 =	vmul.f32 v42, v41;
	v52 =	vmul.f32 v44, v43  }
0x1ac: {  	v18 =	vadd.f32 $0.0e+00, v45;
	v19 =	vadd.f32 $0.0e+00, v46;
	v3 =	vmul.f32 v5, v3;
	v5 =	vld [tilespmem:s30+$0xFFFFFF20]  }
0x1ad: {  	v53 =	vld [tilespmem:s11+$0xFFFFFF30];
	v28 =	vmul.f32 v29, v28;
	v27 =	vadd.f32 $0.0e+00, v48;
	v30 =	vadd.f32 $0.0e+00, v49  }
0x1ae: {  	v54 =	vld [tilespmem:s30+$0xFFFFFF30];
	v35 =	vmul.f32 v36, v35;
	v32 =	vadd.f32 $0.0e+00, v51;
	v33 =	vadd.f32 $0.0e+00, v52  }
0x1af: {  	v55 =	vld [tilespmem:s11+$0xFFFFFF50];
	v17 =	vmul.f32 v47, v63;
	v15 =	vadd.f32 v15, v27;
	v56 =	vadd.f32 v28, v30  }
0x1b0: {  	v57 =	vld [tilespmem:s30+$0xFFFFFF50];
	v58 =	vadd.f32 v35, v32;
	v18 =	vadd.f32 v13, v18;
	v11 =	vmul.f32 v14, v11  }
0x1b1: {  	s23 =	ssub.f32 s24, s23;
	v14 =	vld [tilespmem:s30+$0xFFFFFF40];
	v8 =	vadd.f32 v8, v15;
	v3 =	vadd.f32 $0.0e+00, v3;
	v5 =	vmul.f32 v5, v50  }
0x1b2: {  	v22 =	vmul.f32 v23, v22;
	v13 =	vld [tilespmem:s11+$0xFFFFFF70];
	v12 =	vadd.f32 v12, v56;
	v15 =	vadd.f32 v17, v33  }
0x1b3: {  	s20 =	ssub.f32 s21, s20;
	s24 =	smul.f32 s23, s23;
	v59 =	vmul.f32 v25, v24;
	v11 =	vadd.f32 $0.0e+00, v11;
	v3 =	vadd.f32 v5, v3;
	v5 =	vld [tilespmem:s30+$0xFFFFFF70]  }
0x1b4: {  	s17 =	ssub.f32 s31, s17;
	v61 =	vld [tilespmem:s30+$0xD0];
	v60 =	vmul.f32 v54, v53;
	v2 =	vadd.f32 v2, v8;
	v4 =	vadd.f32 v4, v12  }
0x1b5: {  	s21 =	sadd.f32 s24, s29;
	s20 =	smul.f32 s20, s20;
	v62 =	vmul.f32 v57, v55;
	v22 =	vadd.f32 v22, v58;
	v12 =	vld [tilespmem:s11+$0xD0];
	v15 =	vadd.f32 v59, v15  }
0x1b6: {  	s12 =	ssub.f32 s12, s0;
	v8 =	vld [tilespmem:s11+$0xF0];
	v11 =	vadd.f32 v60, v11;
	v14 =	vmul.f32 v14, v34;
	v2 =	vadd.f32 v4, v2  }
0x1b7: {  	s17 =	smul.f32 s17, s17;
	s0 =	simm.s32 $0x503;
	s20 =	sadd.f32 s20, s21;
	v20 =	vmul.f32 v21, v20;
	v63 =	vadd.f32 v9, v22;
	v9 =	vld [tilespmem:s30+$0xF0];
	v10 =	vadd.f32 v10, v15  }
0x1b8: {  	v4 =	vld [tilespmem:s0+$0x0];
	v11 =	vadd.f32 v62, v11;
	(xrf2) =	vadd.scan.msk.f32 $0xffff, v2;
	v3 =	vadd.f32 v14, v3;
	v13 =	vmul.f32 v5, v13  }
0x1b9: {  	s12 =	smul.f32 s12, s12;
	s25 =	sadd.f32 s17, s20;
	v15 =	vmul.f32 v7, v6;
	v6 =	vld [tilespmem:s0+$0xFFFFFFFE];
	v14 =	vadd.f32 v10, v63;
	v10 =	vadd.f32 v16, v19  }
0x1ba: {  	s3 =	simm.s32 $0x0;
	v7 =	vld [tilespmem:s0+$0xFFFFFFFD];
	v2 =	vadd.f32 v20, v3;
	v3 =	vadd.f32 v13, v11;
	v13 =	vmul.f32 v61, v12  }
0x1bb: {  	s31 =	simm.f32 $0.0e+00;
	s29 =	sadd.f32 s12, s25;
	s12 =	simm.s32 $0x980;
	(xrf2) =	vadd.scan.msk.f32 $0xffff, v14;
	v5 =	vld [tilespmem:s0+$0xFFFFFFFF];
	v11 =	vadd.f32 v15, v18;
	v12 =	vmul.f32 v1, v0  }
.LBB2_6:
0x1bc: {  	v0 =	vld [tilespmem:s12+$0xE0];
	v2 =	vadd.f32 v3, v2;
	v3 =	vadd.f32 v13, v10;
	v8 =	vmul.f32 v9, v8;
	s30 =	sadd.s32 $0x200, s30  }
0x1bd: {  	v1 =	vld [tilespmem:s30+$0xE0]  }
0x1be: {  	v10 =	vadd.f32 v12, v11;
	v9 =	vld [tilespmem:s12+$0x60];
	v3 =	vadd.f32 v8, v3;
	(xrf2) =	vadd.scan.msk.f32 $0xffff, v2  }
0x1bf: {  	v8 =	vld [tilespmem:s30+$0x60]  }
0x1c0: {  	v11 =	vld [tilespmem:s12+$0x70];
	v3 =	vadd.f32 v3, v10  }
0x1c1: {  	v10 =	vld [tilespmem:s30+$0x70]  }
0x1c2: {  	v2 =	vld [tilespmem:s12+$0xC0];
	v12, _, _ =	vpop (xrf2);
	(xrf2) =	vadd.scan.msk.f32 $0xffff, v3  }
0x1c3: {  	v3 =	vld [tilespmem:s30+$0xC0]  }
0x1c4: {  	v13 =	vld [tilespmem:s12+$0xFFFFFFE0]  }
0x1c5: {  	v14 =	vld [tilespmem:s30+$0xFFFFFFE0];
	v15, _, _ =	vpop (xrf2);
	(v2sf) =	vpush v4, $0x0  }
0x1c6: {  	v16 =	vld [tilespmem:s12+$0xFFFFFFF0];
	(v2sf) =	vpush v5, $0x0  }
0x1c7: {  	v17 =	vld [tilespmem:s30+$0xFFFFFFF0];
	(v2sf) =	vpush v6, $0x0  }
0x1c8: {  	v18 =	vld [tilespmem:s12+$0x40];
	v4, _, _ =	vpop (xrf2);
	(v2sf) =	vpush v7, $0x0  }
0x1c9: {  	v7 =	vld [tilespmem:s30+$0x40];
	(v2sf) =	vpush v4, $0xF  }
0x1ca: {  	v19 =	vld [tilespmem:s12+$0x50];
	(v2sf) =	vpush v12, $0xF  }
0x1cb: {  	v12 =	vld [tilespmem:s30+$0x50];
	(v2sf) =	vpush v15, $0xF  }
0x1cc: {  	v15 =	vld [tilespmem:s12+$0xA0];
	v4, _, _ =	vpop (xrf2)  }
0x1cd: {  	v20 =	vld [tilespmem:s30+$0xA0];
	(v2sf) =	vpush v4, $0xF  }
0x1ce: {  	v21 =	vld [tilespmem:s12+$0xB0]  }
0x1cf: {  	v22 =	vld [tilespmem:s30+$0xB0]  }
0x1d0: {  	v4 =	vld [tilespmem:s12+$0xFFFFFF60]  }
0x1d1: {  	v5 =	vld [tilespmem:s30+$0xFFFFFF60]  }
0x1d2: {  	v23 =	vld [tilespmem:s12+$0xFFFFFFC0]  }
0x1d3: {  	v24 =	vld [tilespmem:s30+$0xFFFFFFC0]  }
0x1d4: {  	v6 =	vld [tilespmem:s12+$0xFFFFFFD0];
	s17 =	spop (v2sf)  }
0x1d5: {  	v25 =	vld [tilespmem:s30+$0xFFFFFFD0];
	s20 =	spop (v2sf)  }
0x1d6: {  	v26 =	vld [tilespmem:s12+$0x20];
	s21 =	spop (v2sf)  }
0x1d7: {  	v27 =	vld [tilespmem:s30+$0x20];
	s23 =	spop (v2sf)  }
0x1d8: {  	v28 =	vld [tilespmem:s12+$0x30];
	s24 =	spop (v2sf)  }
0x1d9: {  	v29 =	vld [tilespmem:s30+$0x30];
	s23 =	ssub.f32 s24, s23;
	s24 =	spop (v2sf)  }
0x1da: {  	v30 =	vld [tilespmem:s12+$0x80];
	s25 =	spop (v2sf)  }
0x1db: {  	v31 =	vld [tilespmem:s30+$0x80];
	s23 =	smul.f32 s23, s23;
	s21 =	ssub.f32 s25, s21  }
0x1dc: {  	s20 =	ssub.f32 s24, s20;
	v32 =	vld [tilespmem:s12+$0x90];
	s24 =	spop (v2sf)  }
0x1dd: {  	v33 =	vld [tilespmem:s30+$0x90];
	s23 =	sadd.f32 s23, s31;
	s21 =	smul.f32 s21, s21  }
0x1de: {  	s17 =	ssub.f32 s24, s17;
	v34 =	vld [tilespmem:s12+$0xFFFFFF40]  }
0x1df: {  	s20 =	smul.f32 s20, s20;
	v35 =	vld [tilespmem:s12+$0xFFFFFFA0];
	s21 =	sadd.f32 s21, s23  }
0x1e0: {  	v36 =	vld [tilespmem:s30+$0xFFFFFFA0]  }
0x1e1: {  	s17 =	smul.f32 s17, s17;
	v37 =	vld [tilespmem:s12+$0x0];
	s20 =	sadd.f32 s20, s21  }
0x1e2: {  	v38 =	vld [tilespmem:s30+$0x0]  }
0x1e3: {  	v39 =	vld [tilespmem:s12+$0x10];
	s31 =	sadd.f32 s17, s20  }
0x1e4: {  	v40 =	vld [tilespmem:s30+$0x10]  }
0x1e5: {  	v41 =	vld [tilespmem:s12+$0xFFFFFF80]  }
0x1e6: {  	v42 =	vld [tilespmem:s30+$0xFFFFFF80]  }
0x1e7: {  	v43 =	vld [tilespmem:s12+$0xFFFFFF90]  }
0x1e8: {  	v8 =	vmul.f32 v8, v9;
	v44 =	vld [tilespmem:s30+$0xFFFFFF90]  }
0x1e9: {  	v10 =	vmul.f32 v10, v11;
	v13 =	vmul.f32 v14, v13;
	v9 =	vld [tilespmem:s12+$0xFFFFFF00]  }
0x1ea: {  	v14 =	vmul.f32 v17, v16;
	v7 =	vmul.f32 v7, v18;
	v11 =	vld [tilespmem:s30+$0xFFFFFF00]  }
0x1eb: {  	v12 =	vmul.f32 v12, v19;
	v15 =	vmul.f32 v20, v15;
	v16 =	vld [tilespmem:s12+$0xFFFFFF10]  }
0x1ec: {  	v19 =	vmul.f32 v22, v21;
	v18 =	vmul.f32 v27, v26;
	v17 =	vld [tilespmem:s30+$0xFFFFFF10]  }
0x1ed: {  	v21 =	vmul.f32 v31, v30;
	v22 =	vmul.f32 v33, v32;
	v20 =	vld [tilespmem:s12+$0xFFFFFFB0]  }
0x1ee: {  	v27 =	vmul.f32 v38, v37;
	v30 =	vmul.f32 v40, v39;
	v26 =	vld [tilespmem:s30+$0xFFFFFFB0]  }
0x1ef: {  	v32 =	vmul.f32 v42, v41;
	v33 =	vmul.f32 v44, v43;
	v31 =	vld [tilespmem:s12+$0xFFFFFF20]  }
0x1f0: {  	v21 =	vadd.f32 $0.0e+00, v21;
	v22 =	vadd.f32 $0.0e+00, v22;
	v9 =	vmul.f32 v11, v9;
	v11 =	vld [tilespmem:s30+$0xFFFFFF20]  }
0x1f1: {  	s3 =	sadd.s32 $0x4, s3;
	v27 =	vadd.f32 $0.0e+00, v27;
	v30 =	vadd.f32 $0.0e+00, v30;
	v16 =	vmul.f32 v17, v16;
	v17 =	vld [tilespmem:s30+$0xFFFFFF40]  }
0x1f2: {  	p0 =	slt.u32 s3, $0x7C;
	v28 =	vmul.f32 v29, v28;
	v32 =	vadd.f32 $0.0e+00, v32;
	v33 =	vadd.f32 $0.0e+00, v33;
	v37 =	vld [tilespmem:s12+$0xFFFFFF30]  }
0x1f3: {  	v35 =	vmul.f32 v36, v35;
	v9 =	vadd.f32 $0.0e+00, v9;
	v16 =	vadd.f32 $0.0e+00, v16;
	v29 =	vld [tilespmem:s30+$0xFFFFFF30]  }
0x1f4: {  	v18 =	vadd.f32 v18, v27;
	v20 =	vmul.f32 v26, v20;
	v26 =	vadd.f32 v28, v30;
	v36 =	vld [tilespmem:s12+$0xFFFFFF50]  }
0x1f5: {  	v15 =	vadd.f32 v15, v21;
	v28 =	vadd.f32 v35, v32;
	v11 =	vmul.f32 v11, v31;
	v27 =	vld [tilespmem:s30+$0xFFFFFF50]  }
0x1f6: {  	v23 =	vmul.f32 v24, v23;
	v7 =	vadd.f32 v7, v18;
	v12 =	vadd.f32 v12, v26;
	v21 =	vld [tilespmem:s12+$0xFFFFFF70]  }
0x1f7: {  	v6 =	vmul.f32 v25, v6;
	v11 =	vadd.f32 v11, v9;
	v18 =	vld [tilespmem:s30+$0xFFFFFF70];
	v9 =	vadd.f32 v20, v33  }
0x1f8: {  	v7 =	vadd.f32 v8, v7;
	v8 =	vadd.f32 v10, v12;
	v20 =	vmul.f32 v29, v37;
	v12 =	vld [tilespmem:s12+$0xD0]  }
0x1f9: {  	v10 =	vmul.f32 v17, v34;
	v17 =	vadd.f32 v23, v28;
	v6 =	vadd.f32 v6, v9;
	v23 =	vld [tilespmem:s30+$0xD0]  }
0x1fa: {  	v7 =	vadd.f32 v8, v7;
	v16 =	vadd.f32 v20, v16;
	v20 =	vmul.f32 v27, v36;
	v8 =	vld [tilespmem:s12+$0xF0]  }
.Ltmp2:
0x1fb: {  	s0 =	sadd.s32 $0x4, s0;
	v24 =	vmul.f32 v5, v4;
	v5 =	vadd.f32 v13, v17;
	v6 =	vadd.f32 v14, v6;
	v9 =	vld [tilespmem:s30+$0xF0];
	(pc) =	sbr.rel @p0 .LBB2_6-.Ltmp2, $4  }
0x1fc: {  	v11 =	vadd.f32 v10, v11;
	v13 =	vadd.f32 v20, v16;
	v14 =	vmul.f32 v18, v21;
	v4 =	vld [tilespmem:s0+$0x0];
	(xrf2) =	vadd.scan.msk.f32 $0xffff, v7  }
0x1fd: {  	v10 =	vadd.f32 v19, v22;
	v17 =	vmul.f32 v3, v2;
	v16 =	vadd.f32 v6, v5;
	v5 =	vld [tilespmem:s0+$0xFFFFFFFF]  }
0x1fe: {  	v2 =	vadd.f32 v24, v11;
	v3 =	vadd.f32 v14, v13;
	v6 =	vld [tilespmem:s0+$0xFFFFFFFE];
	v13 =	vmul.f32 v23, v12  }
0x1ff: {  	s12 =	sadd.s32 $0x200, s12;
	v11 =	vadd.f32 v17, v15;
	v12 =	vmul.f32 v1, v0;
	v7 =	vld [tilespmem:s0+$0xFFFFFFFD];
	(xrf2) =	vadd.scan.msk.f32 $0xffff, v16  }
0x200: {  	v0 =	vadd.f32 v13, v10;
	v1 =	vmul.f32 v9, v8  }
0x201: {  	v2 =	vadd.f32 v3, v2  }
0x202: {  	v3 =	vadd.f32 v12, v11;
	v0 =	vadd.f32 v1, v0  }
0x203: {  	(xrf2) =	vadd.scan.msk.f32 $0xffff, v2  }
0x204: {  	v0 =	vadd.f32 v0, v3;
	_ =	sdelay $0x1  }
0x205: {  	(xrf2) =	vadd.scan.msk.f32 $0xffff, v0;
	_ =	sdelay $0x3  }
0x206: {  	(v2sf) =	vpush v4, $0x0  }
0x207: {  	(v2sf) =	vpush v5, $0x0;
	v0, _, _ =	vpop (xrf2)  }
0x208: {  	(v2sf) =	vpush v6, $0x0;
	v1, _, _ =	vpop (xrf2)  }
0x209: {  	(v2sf) =	vpush v7, $0x0;
	v2, _, _ =	vpop (xrf2)  }
0x20a: {  	(v2sf) =	vpush v2, $0xF  }
0x20b: {  	(v2sf) =	vpush v0, $0xF  }
0x20c: {  	(v2sf) =	vpush v1, $0xF;
	v0, _, _ =	vpop (xrf2)  }
0x20d: {  	(v2sf) =	vpush v0, $0xF;
	_ =	sdelay $0x7  }
0x20e: {  	s3 =	spop (v2sf)  }
0x20f: {  	s17 =	spop (v2sf)  }
0x210: {  	s21 =	spop (v2sf)  }
0x211: {  	s24 =	spop (v2sf)  }
0x212: {  	s30 =	spop (v2sf)  }
0x213: {  	s20 =	spop (v2sf)  }
0x214: {  	s23 =	spop (v2sf)  }
0x215: {  	s12 =	spop (v2sf)  }
0x216: {  	_ =	swait.ge [sflag:s22], $0x4000  }
0x217: {  	[sflag:s22] =	ssyncset.done $0x0  }
0x218: {  	[sflag:s22] =	ssyncadd.s32 $0xFFFFC000  }
0x219: {  	_ =	swait.ge [sflag:s22], $0x4000  }
0x21a: {  	[sflag:s22] =	ssyncset.done $0x0  }
0x21b: {  	s0 =	simm.s32 $0x0;
	[sflag:s22] =	ssyncadd.s32 $0xFFFFC000  }
0x21c: {  	v0 =	vld [tilespmem:s0+$0x4860]  }
0x21d: {  	v1 =	vld [tilespmem:s0+$0xC860]  }
0x21e: {  	v3 =	vld [tilespmem:s0+$0x47E0]  }
0x21f: {  	v4 =	vld [tilespmem:s0+$0xC7E0]  }
0x220: {  	v5 =	vld [tilespmem:s0+$0x47F0]  }
0x221: {  	v6 =	vld [tilespmem:s0+$0xC7F0]  }
0x222: {  	v2 =	vld [tilespmem:s0+$0x4840]  }
0x223: {  	v12 =	vld [tilespmem:s0+$0xC840]  }
0x224: {  	v7 =	vld [tilespmem:s0+$0x4760]  }
0x225: {  	v8 =	vld [tilespmem:s0+$0xC760]  }
0x226: {  	v9 =	vld [tilespmem:s0+$0x4770]  }
0x227: {  	v10 =	vld [tilespmem:s0+$0xC770]  }
0x228: {  	v11 =	vld [tilespmem:s0+$0x47C0]  }
0x229: {  	v13 =	vld [tilespmem:s0+$0xC7C0]  }
0x22a: {  	v14 =	vld [tilespmem:s0+$0x47D0]  }
0x22b: {  	v15 =	vld [tilespmem:s0+$0xC7D0]  }
0x22c: {  	v16 =	vld [tilespmem:s0+$0x4820]  }
0x22d: {  	v17 =	vld [tilespmem:s0+$0xC820]  }
0x22e: {  	v18 =	vld [tilespmem:s0+$0x4830]  }
0x22f: {  	v19 =	vld [tilespmem:s0+$0xC830]  }
0x230: {  	v20 =	vld [tilespmem:s0+$0x46E0]  }
0x231: {  	v21 =	vld [tilespmem:s0+$0xC6E0]  }
0x232: {  	v22 =	vld [tilespmem:s0+$0x4740]  }
0x233: {  	v23 =	vld [tilespmem:s0+$0xC740]  }
0x234: {  	v24 =	vld [tilespmem:s0+$0x4750]  }
0x235: {  	v25 =	vld [tilespmem:s0+$0xC750]  }
0x236: {  	v26 =	vld [tilespmem:s0+$0x47A0]  }
0x237: {  	v27 =	vld [tilespmem:s0+$0xC7A0]  }
0x238: {  	v28 =	vld [tilespmem:s0+$0x47B0]  }
0x239: {  	v29 =	vld [tilespmem:s0+$0xC7B0]  }
0x23a: {  	v30 =	vld [tilespmem:s0+$0x4800]  }
0x23b: {  	v31 =	vld [tilespmem:s0+$0xC800]  }
0x23c: {  	v32 =	vld [tilespmem:s0+$0x4810]  }
0x23d: {  	v33 =	vld [tilespmem:s0+$0xC810]  }
0x23e: {  	v34 =	vld [tilespmem:s0+$0x46C0]  }
0x23f: {  	v35 =	vld [tilespmem:s0+$0x4720]  }
0x240: {  	v37 =	vld [tilespmem:s0+$0x4780]  }
0x241: {  	v38 =	vld [tilespmem:s0+$0xC780]  }
0x242: {  	v39 =	vld [tilespmem:s0+$0x4790]  }
0x243: {  	v40 =	vld [tilespmem:s0+$0xC790]  }
0x244: {  	v41 =	vld [tilespmem:s0+$0x4700]  }
0x245: {  	v42 =	vld [tilespmem:s0+$0xC700]  }
0x246: {  	v43 =	vld [tilespmem:s0+$0x4710]  }
0x247: {  	v44 =	vld [tilespmem:s0+$0xC710]  }
0x248: {  	v60 =	vld [tilespmem:s0+$0x4730];
	v3 =	vmul.f32 v4, v3;
	v45 =	vmul.f32 v8, v7  }
0x249: {  	v63 =	vld [tilespmem:s0+$0xC730];
	v5 =	vmul.f32 v6, v5;
	v9 =	vmul.f32 v10, v9  }
0x24a: {  	v4 =	vld [tilespmem:s0+$0x4680];
	v8 =	vmul.f32 v13, v11;
	v10 =	vmul.f32 v15, v14  }
0x24b: {  	v6 =	vld [tilespmem:s0+$0xC680];
	v11 =	vmul.f32 v17, v16;
	v14 =	vmul.f32 v27, v26  }
0x24c: {  	v7 =	vld [tilespmem:s0+$0x4690];
	v15 =	vmul.f32 v19, v18;
	v61 =	vmul.f32 v31, v30  }
0x24d: {  	v13 =	vld [tilespmem:s0+$0xC690];
	v62 =	vmul.f32 v33, v32;
	v38 =	vmul.f32 v38, v37  }
0x24e: {  	v36 =	vld [tilespmem:s0+$0xC720];
	v40 =	vmul.f32 v40, v39;
	v47 =	vmul.f32 v42, v41  }
0x24f: {  	v46 =	vld [tilespmem:s0+$0x46A0];
	v48 =	vmul.f32 v44, v43;
	v28 =	vmul.f32 v29, v28;
	v26 =	vadd.f32 $0.0e+00, v38  }
0x250: {  	v17 =	vadd.f32 $0.0e+00, v61;
	v27 =	vadd.f32 $0.0e+00, v40;
	v4 =	vmul.f32 v6, v4;
	v6 =	vld [tilespmem:s0+$0xC6A0]  }
0x251: {  	v49 =	vld [tilespmem:s0+$0x46B0];
	v16 =	vmul.f32 v63, v60;
	v18 =	vadd.f32 $0.0e+00, v62;
	v14 =	vadd.f32 v14, v26  }
0x252: {  	v51 =	vld [tilespmem:s0+$0xC6B0];
	v31 =	vadd.f32 $0.0e+00, v47;
	v53 =	vadd.f32 v28, v27;
	v7 =	vmul.f32 v13, v7  }
0x253: {  	s24 =	ssub.f32 s30, s24;
	v52 =	vld [tilespmem:s0+$0x46D0];
	v56 =	vmul.f32 v23, v22;
	v32 =	vadd.f32 $0.0e+00, v48;
	v8 =	vadd.f32 v8, v14  }
0x254: {  	v13 =	vld [tilespmem:s0+$0xC6C0];
	v10 =	vadd.f32 v10, v53;
	v50 =	vadd.f32 $0.0e+00, v7;
	v7 =	vmul.f32 v36, v35  }
0x255: {  	s21 =	ssub.f32 s23, s21;
	s11 =	smul.f32 s24, s24;
	v54 =	vld [tilespmem:s0+$0xC6D0];
	v14 =	vadd.f32 v16, v32;
	v4 =	vadd.f32 $0.0e+00, v4;
	v6 =	vmul.f32 v6, v46  }
0x256: {  	s17 =	ssub.f32 s20, s17;
	v57 =	vmul.f32 v25, v24;
	v55 =	vadd.f32 v7, v31;
	v7 =	vadd.f32 v11, v17;
	v11 =	vld [tilespmem:s0+$0x46F0]  }
0x257: {  	s24 =	sadd.f32 s11, s31;
	s21 =	smul.f32 s21, s21;
	v58 =	vmul.f32 v51, v49;
	v3 =	vadd.f32 v3, v8;
	v4 =	vadd.f32 v6, v4;
	v6 =	vld [tilespmem:s0+$0xC6F0]  }
0x258: {  	s3 =	ssub.f32 s12, s3;
	v59 =	vld [tilespmem:s0+$0x4850];
	v5 =	vadd.f32 v5, v10;
	v14 =	vadd.f32 v57, v14  }
0x259: {  	s17 =	smul.f32 s17, s17;
	s25 =	sadd.f32 s21, s24;
	v60 =	vld [tilespmem:s0+$0xC850];
	v61 =	vadd.f32 v58, v50;
	v10 =	vmul.f32 v13, v34;
	v13 =	vadd.f32 v56, v55  }
0x25a: {  	v62 =	vmul.f32 v54, v52;
	v8 =	vld [tilespmem:s0+$0x4870];
	v63 =	vadd.f32 v5, v3;
	v5 =	vadd.f32 v9, v14  }
0x25b: {  	s31 =	simm.s32 $0x583;
	s3 =	smul.f32 s3, s3;
	s12 =	sadd.f32 s17, s25;
	v20 =	vmul.f32 v21, v20;
	v9 =	vld [tilespmem:s0+$0xC870];
	v3 =	vadd.f32 v45, v13;
	v13 =	vadd.f32 v10, v4  }
0x25c: {  	v14 =	vadd.f32 v62, v61;
	(xrf2) =	vadd.scan.msk.f32 $0xffff, v63;
	v4 =	vld [tilespmem:s31+$0x0];
	v6 =	vmul.f32 v6, v11  }
0x25d: {  	s30 =	sadd.f32 s3, s12;
	v10 =	vadd.f32 v5, v3;
	v5 =	vld [tilespmem:s31+$0xFFFFFFFF];
	v3 =	vmul.f32 v12, v2;
	v2 =	vadd.f32 v20, v13  }
0x25e: {  	s3 =	simm.s32 $0x0;
	s12 =	simm.s32 $0x800;
	s0 =	simm.f32 $0.0e+00;
	v13 =	vmul.f32 v60, v59;
	v11 =	vadd.f32 v15, v18;
	v12 =	vadd.f32 v6, v14;
	v6 =	vld [tilespmem:s31+$0xFFFFFFFE]  }
.LBB2_8:
0x25f: {  	s17 =	sshra.s32 s12, $0x2;
	v14 =	vld [tilespmem:s31+$0xFFFFFFFD];
	v3 =	vadd.f32 v3, v7;
	v7 =	vmul.f32 v1, v0;
	(xrf2) =	vadd.scan.msk.f32 $0xffff, v10  }
0x260: {  	v0 =	vld [tilespmem:s17+$0x4860];
	v2 =	vadd.f32 v12, v2;
	v10 =	vadd.f32 v13, v11;
	v8 =	vmul.f32 v9, v8  }
0x261: {  	v1 =	vld [tilespmem:s17+$0xC860]  }
0x262: {  	v3 =	vadd.f32 v7, v3;
	v9 =	vld [tilespmem:s17+$0x47E0];
	v7 =	vadd.f32 v8, v10;
	(xrf2) =	vadd.scan.msk.f32 $0xffff, v2  }
0x263: {  	v8 =	vld [tilespmem:s17+$0xC7E0]  }
0x264: {  	v10 =	vld [tilespmem:s17+$0x47F0];
	v3 =	vadd.f32 v7, v3  }
0x265: {  	v7 =	vld [tilespmem:s17+$0xC7F0]  }
0x266: {  	v2 =	vld [tilespmem:s17+$0x4840];
	v11, _, _ =	vpop (xrf2);
	(xrf2) =	vadd.scan.msk.f32 $0xffff, v3  }
0x267: {  	v3 =	vld [tilespmem:s17+$0xC840]  }
0x268: {  	v12 =	vld [tilespmem:s17+$0x4760]  }
0x269: {  	v13 =	vld [tilespmem:s17+$0xC760];
	v15, _, _ =	vpop (xrf2);
	(v2sf) =	vpush v4, $0x0  }
0x26a: {  	v16 =	vld [tilespmem:s17+$0x4770];
	(v2sf) =	vpush v5, $0x0  }
0x26b: {  	v17 =	vld [tilespmem:s17+$0xC770];
	(v2sf) =	vpush v6, $0x0  }
0x26c: {  	v18 =	vld [tilespmem:s17+$0x47C0];
	v4, _, _ =	vpop (xrf2);
	(v2sf) =	vpush v14, $0x0  }
0x26d: {  	v14 =	vld [tilespmem:s17+$0xC7C0];
	(v2sf) =	vpush v4, $0xF  }
0x26e: {  	v19 =	vld [tilespmem:s17+$0x47D0];
	(v2sf) =	vpush v11, $0xF  }
0x26f: {  	v11 =	vld [tilespmem:s17+$0xC7D0];
	(v2sf) =	vpush v15, $0xF  }
0x270: {  	v15 =	vld [tilespmem:s17+$0x4820];
	v4, _, _ =	vpop (xrf2)  }
0x271: {  	v20 =	vld [tilespmem:s17+$0xC820];
	(v2sf) =	vpush v4, $0xF  }
0x272: {  	v21 =	vld [tilespmem:s17+$0x4830]  }
0x273: {  	v22 =	vld [tilespmem:s17+$0xC830]  }
0x274: {  	v4 =	vld [tilespmem:s17+$0x46E0]  }
0x275: {  	v5 =	vld [tilespmem:s17+$0xC6E0]  }
0x276: {  	v23 =	vld [tilespmem:s17+$0x4740]  }
0x277: {  	v24 =	vld [tilespmem:s17+$0xC740]  }
0x278: {  	v6 =	vld [tilespmem:s17+$0x4750];
	s20 =	spop (v2sf)  }
0x279: {  	v25 =	vld [tilespmem:s17+$0xC750];
	s21 =	spop (v2sf)  }
0x27a: {  	v26 =	vld [tilespmem:s17+$0x47A0];
	s23 =	spop (v2sf)  }
0x27b: {  	v27 =	vld [tilespmem:s17+$0xC7A0];
	s24 =	spop (v2sf)  }
0x27c: {  	v28 =	vld [tilespmem:s17+$0x47B0];
	s25 =	spop (v2sf)  }
0x27d: {  	v29 =	vld [tilespmem:s17+$0xC7B0];
	s24 =	ssub.f32 s25, s24;
	s25 =	spop (v2sf)  }
0x27e: {  	v30 =	vld [tilespmem:s17+$0x4800];
	s11 =	spop (v2sf)  }
0x27f: {  	v31 =	vld [tilespmem:s17+$0xC800];
	s24 =	smul.f32 s24, s24;
	s11 =	ssub.f32 s11, s23  }
0x280: {  	s21 =	ssub.f32 s25, s21;
	v32 =	vld [tilespmem:s17+$0x4810];
	s23 =	spop (v2sf)  }
0x281: {  	v33 =	vld [tilespmem:s17+$0xC810];
	s0 =	sadd.f32 s24, s0;
	s11 =	smul.f32 s11, s11  }
0x282: {  	s20 =	ssub.f32 s23, s20;
	v34 =	vld [tilespmem:s17+$0x46C0]  }
0x283: {  	v35 =	vld [tilespmem:s17+$0x4720];
	s0 =	sadd.f32 s11, s0;
	s11 =	smul.f32 s21, s21  }
0x284: {  	v36 =	vld [tilespmem:s17+$0xC720]  }
0x285: {  	v37 =	vld [tilespmem:s17+$0x4780];
	s0 =	sadd.f32 s11, s0;
	s11 =	smul.f32 s20, s20  }
0x286: {  	v38 =	vld [tilespmem:s17+$0xC780]  }
0x287: {  	v39 =	vld [tilespmem:s17+$0x4790];
	s0 =	sadd.f32 s11, s0  }
0x288: {  	v40 =	vld [tilespmem:s17+$0xC790]  }
0x289: {  	v41 =	vld [tilespmem:s17+$0x4700]  }
0x28a: {  	v42 =	vld [tilespmem:s17+$0xC700]  }
0x28b: {  	v43 =	vld [tilespmem:s17+$0x4710]  }
0x28c: {  	v8 =	vmul.f32 v8, v9;
	v44 =	vld [tilespmem:s17+$0xC710]  }
0x28d: {  	v10 =	vmul.f32 v7, v10;
	v12 =	vmul.f32 v13, v12;
	v9 =	vld [tilespmem:s17+$0x4680]  }
0x28e: {  	v13 =	vmul.f32 v17, v16;
	v14 =	vmul.f32 v14, v18;
	v7 =	vld [tilespmem:s17+$0xC680]  }
0x28f: {  	v11 =	vmul.f32 v11, v19;
	v15 =	vmul.f32 v20, v15;
	v16 =	vld [tilespmem:s17+$0x4690]  }
0x290: {  	v19 =	vmul.f32 v22, v21;
	v18 =	vmul.f32 v27, v26;
	v17 =	vld [tilespmem:s17+$0xC690]  }
0x291: {  	v21 =	vmul.f32 v31, v30;
	v22 =	vmul.f32 v33, v32;
	v20 =	vld [tilespmem:s17+$0x4730]  }
0x292: {  	v27 =	vmul.f32 v38, v37;
	v30 =	vmul.f32 v40, v39;
	v26 =	vld [tilespmem:s17+$0xC730]  }
0x293: {  	v32 =	vmul.f32 v42, v41;
	v33 =	vmul.f32 v44, v43;
	v31 =	vld [tilespmem:s17+$0x46A0]  }
0x294: {  	s3 =	sadd.s32 $0x4, s3;
	v21 =	vadd.f32 $0.0e+00, v21;
	v22 =	vadd.f32 $0.0e+00, v22;
	v7 =	vmul.f32 v7, v9;
	v9 =	vld [tilespmem:s17+$0xC6A0]  }
0x295: {  	p0 =	slt.u32 s3, $0x7C;
	v27 =	vadd.f32 $0.0e+00, v27;
	v30 =	vadd.f32 $0.0e+00, v30;
	v16 =	vmul.f32 v17, v16;
	v17 =	vld [tilespmem:s17+$0xC6C0]  }
0x296: {  	v28 =	vmul.f32 v29, v28;
	v32 =	vadd.f32 $0.0e+00, v32;
	v33 =	vadd.f32 $0.0e+00, v33;
	v37 =	vld [tilespmem:s17+$0x46B0]  }
0x297: {  	v29 =	vadd.f32 $0.0e+00, v7;
	v7 =	vmul.f32 v36, v35;
	v16 =	vadd.f32 $0.0e+00, v16;
	v38 =	vld [tilespmem:s17+$0xC6B0]  }
0x298: {  	v18 =	vadd.f32 v18, v27;
	v20 =	vmul.f32 v26, v20;
	v26 =	vadd.f32 v28, v30;
	v35 =	vld [tilespmem:s17+$0x46D0]  }
0x299: {  	v28 =	vadd.f32 v7, v32;
	v7 =	vadd.f32 v15, v21;
	v9 =	vmul.f32 v9, v31;
	v27 =	vld [tilespmem:s17+$0xC6D0]  }
0x29a: {  	v14 =	vadd.f32 v14, v18;
	v21 =	vmul.f32 v24, v23;
	v11 =	vadd.f32 v11, v26;
	v15 =	vld [tilespmem:s17+$0x46F0]  }
0x29b: {  	v6 =	vmul.f32 v25, v6;
	v18 =	vadd.f32 v9, v29;
	v23 =	vld [tilespmem:s17+$0xC6F0];
	v9 =	vadd.f32 v20, v33  }
0x29c: {  	v8 =	vadd.f32 v8, v14;
	v10 =	vadd.f32 v10, v11;
	v20 =	vmul.f32 v38, v37;
	v14 =	vld [tilespmem:s17+$0x4850]  }
0x29d: {  	v11 =	vmul.f32 v17, v34;
	v17 =	vadd.f32 v21, v28;
	v6 =	vadd.f32 v6, v9;
	v21 =	vld [tilespmem:s17+$0xC850]  }
.Ltmp3:
0x29e: {  	v10 =	vadd.f32 v10, v8;
	v16 =	vadd.f32 v20, v16;
	v20 =	vmul.f32 v27, v35;
	v8 =	vld [tilespmem:s17+$0x4870];
	(pc) =	sbr.rel @p0 .LBB2_8-.Ltmp3, $4  }
0x29f: {  	s31 =	sadd.s32 $0x4, s31;
	v24 =	vmul.f32 v5, v4;
	v5 =	vadd.f32 v12, v17;
	v6 =	vadd.f32 v13, v6;
	v9 =	vld [tilespmem:s17+$0xC870]  }
0x2a0: {  	v12 =	vadd.f32 v11, v18;
	v13 =	vadd.f32 v20, v16;
	v15 =	vmul.f32 v23, v15;
	v4 =	vld [tilespmem:s31+$0x0];
	(xrf2) =	vadd.scan.msk.f32 $0xffff, v10  }
0x2a1: {  	v3 =	vmul.f32 v3, v2;
	v11 =	vadd.f32 v19, v22;
	v10 =	vadd.f32 v6, v5;
	v5 =	vld [tilespmem:s31+$0xFFFFFFFF]  }
0x2a2: {  	s12 =	sadd.s32 $0x800, s12;
	v2 =	vadd.f32 v24, v12;
	v12 =	vadd.f32 v15, v13;
	v6 =	vld [tilespmem:s31+$0xFFFFFFFE];
	v13 =	vmul.f32 v21, v14  }
0x2a3: {  	v3 =	vadd.f32 v3, v7;
	v0 =	vmul.f32 v1, v0  }
0x2a4: {  	v52 =	vadd.f32 v12, v2;
	v53 =	vadd.f32 v13, v11;
	v54 =	vmul.f32 v9, v8  }
0x2a5: {  	(xrf2) =	vadd.scan.msk.f32 $0xffff, v10  }
0x2a6: {  	v0 =	vadd.f32 v0, v3;
	v2 =	vadd.f32 v54, v53;
	(xrf2) =	vadd.scan.msk.f32 $0xffff, v52;
	_ =	sdelay $0x1  }
0x2a7: {  	v0 =	vadd.f32 v2, v0;
	_ =	sdelay $0x1  }
0x2a8: {  	(xrf2) =	vadd.scan.msk.f32 $0xffff, v0  }
0x2a9: {  	v55 =	vld [tilespmem:s31+$0xFFFFFFFD];
	_ =	sdelay $0x1  }
0x2aa: {  	(v2sf) =	vpush v4, $0x0  }
0x2ab: {  	(v2sf) =	vpush v5, $0x0;
	v56, _, _ =	vpop (xrf2)  }
0x2ac: {  	(v2sf) =	vpush v6, $0x0;
	v57, _, _ =	vpop (xrf2)  }
0x2ad: {  	(v2sf) =	vpush v55, $0x0;
	v58, _, _ =	vpop (xrf2)  }
0x2ae: {  	(v2sf) =	vpush v58, $0xF  }
0x2af: {  	(v2sf) =	vpush v56, $0xF  }
0x2b0: {  	(v2sf) =	vpush v57, $0xF  }
0x2b1: {  	v59, _, _ =	vpop (xrf2)  }
0x2b2: {  	(v2sf) =	vpush v59, $0xF;
	_ =	sdelay $0x6  }
0x2b3: {  	s3 =	spop (v2sf)  }
0x2b4: {  	s11 =	spop (v2sf)  }
0x2b5: {  	s12 =	spop (v2sf)  }
0x2b6: {  	s17 =	spop (v2sf)  }
0x2b7: {  	s20 =	spop (v2sf)  }
0x2b8: {  	s17 =	ssub.f32 s20, s17;
	s24 =	spop (v2sf)  }
0x2b9: {  	s21 =	spop (v2sf)  }
0x2ba: {  	s17 =	smul.f32 s17, s17;
	s12 =	ssub.f32 s21, s12  }
0x2bb: {  	s11 =	ssub.f32 s24, s11;
	s25 =	spop (v2sf)  }
0x2bc: {  	s0 =	sadd.f32 s17, s0;
	s12 =	smul.f32 s12, s12  }
0x2bd: {  	s3 =	ssub.f32 s25, s3  }
0x2be: {  	s11 =	smul.f32 s11, s11;
	s0 =	sadd.f32 s12, s0  }
0x2bf: {  	_ = 	snop  }
0x2c0: {  	v60 =	vmov s28;
	v61 =	vmov s29;
	s3 =	smul.f32 s3, s3;
	s0 =	sadd.f32 s11, s0  }
0x2c1: {  	v1 =	vnsel vm0, $0x0, v61;
	v0 =	vnsel vm0, $0x0, v60  }
0x2c2: {  	v62 =	vmov s30;
	v0 =	vadd.f32 v1, v0;
	s0 =	sadd.f32 s3, s0  }
0x2c3: {  	v1 =	vnsel vm0, $0x0, v62  }
0x2c4: {  	v0 =	vadd.f32 v1, v0;
	v63 =	vmov s0  }
0x2c5: {  	v1 =	vnsel vm0, $0x0, v63  }
0x2c6: {  	s26 =	sadd.s32 $0x1, s26;
	v0 =	vadd.f32 v1, v0  }
0x2c7: {  	p0 =	sne.s32 s26, s9  }
.Ltmp4:
0x2c8: {  	s31 =	simm.s32 $0x10680;
	[tilespmem:$0x10680] =	vst v0;
	(pc) =	sbr.rel @p0 .LBB2_1-.Ltmp4, $4  }
0x2c9: {  	[hbm4b:s8+s4] =	stream.linear.scatter [tilespmem:s31], [sflag:$0x3], $0x10, $0x38;
	[tilespmem:$0x10700] =	vst v63  }
0x2ca: {  	_ =	swait.ge [sflag:s10], $0x10  }
0x2cb: {  	[sflag:s10] =	ssyncset.done $0x0  }
0x2cc: {  	[sflag:s10] =	ssyncadd.s32 $0xFFFFFFF0  }
0x2cd: {  	_ =	sfence.sel $0x180000  }
0x2ce: {  	[bflag:$0x0] =	sbarrier.arrive $0xFFFF  }
0x2cf: {  	_ =	strace $0x90000047  }
0x2d0: {  	s0 =	stileid.u32;
	[bflag:$0x2] =	sbarrier.arrive $0xFFFF  }
0x2d1: {  	p0 =	sne.s32 s0, $0x0;
	s0 =	rddreg [dreg:$0x6]  }
0x2d2: {  	s0 =	sadd.s32 @!p0 $0x100000, s0  }
0x2d3: {  	[sflag:s0] =	ssyncadd.tile.s32 @!p0 $0x1;
	_ =	shalt  }
.Lfunc_end2:
_tile_overlayer_lowered:
.L_overlay_start_2:
0x2d4: {  	(tag) =	ssettag $0x2  }
0x2d5: {  	s0 =	rddreg [dreg:$0x0];
	s2 =	stileid.u32  }
0x2d6: {  	s1 =	rddreg [dreg:$0x1];
	p0 =	sne.s32 s2, $0x0  }
0x2d7: {  	s3 =	rddreg [dreg:$0x2];
	[bflag:$0x3] =	sbarrier.arrive $0xFFFF;
	s2 =	simm.s32 @!p0 $0x1C03  }
0x2d8: {  	[timem:s3], [sflag:s2] =	dma.local @!p0 [hbm:s0], s1  }
0x2d9: {  	s0 =	simm.s32 @!p0 $0x3  }
0x2da: {  	_ =	swait.ge @!p0 [sflag:s0], s1  }
0x2db: {  	s1 =	ssub.s32 @!p0 $0x0, s1;
	[sflag:s0] =	ssyncset.done @!p0 $0x0  }
0x2dc: {  	[sflag:s0] =	ssyncadd.s32 @!p0 s1  }
0x2dd: {  	[bflag:$0x3] =	sbarrier.arrive $0xFFFF  }
0x2de: {  	_ =	shalt  }

</sc_bundles>
